<compile_context>
chip_gen: v7x
topology: tpu7x:2x2x1
jax: 0.10.2.dev20260603
libtpu: 0.0.44.dev20260713+nightly
codegen_flags: <defaults>
</compile_context>

<pallas_src>
import dataclasses

import jax
import jax.numpy as jnp
from jax import lax
from jax.experimental import pallas as pl
from jax.experimental.pallas import tpu as pltpu
from jax.experimental.pallas import tpu_sc as plsc

BATCH = 16384
DIM = 32
LANES = 16
ROWS_PER_LINE = 4
NUM_CORES = 2
NUM_SUBCORES = 16
NUM_WORKERS = NUM_CORES * NUM_SUBCORES
BPW = BATCH // NUM_WORKERS
CHUNK = 256

TC_BLOCK = 2048

TR_LANES = 32768
TR_GRID = -(-1000000 // TR_LANES)
QUARTER = TR_LANES // 4
N_LINES = TR_GRID * QUARTER


def _relayout_body(in_ref, out_ref):
    st = jnp.concatenate(
        [in_ref[:, QUARTER * a: QUARTER * (a + 1)]
         for a in range(ROWS_PER_LINE)], axis=0)
    out_ref[...] = jnp.swapaxes(st, 0, 1)


def _tc_relayout(tab_t):
    return pl.pallas_call(
        _relayout_body,
        out_shape=jax.ShapeDtypeStruct((N_LINES, 128), jnp.float32),
        grid=(TR_GRID,),
        in_specs=[pl.BlockSpec((DIM, TR_LANES), lambda i: (0, i))],
        out_specs=pl.BlockSpec((TR_LANES // 4, 128), lambda i: (i, 0)),
        compiler_params=pltpu.CompilerParams(
            dimension_semantics=("parallel",)),
    )(tab_t)


def _line_of(idx):
    return lax.bitwise_or(
        lax.shift_left(lax.shift_right_logical(idx, 15), 13),
        lax.bitwise_and(idx, QUARTER - 1))


def _gather_body(idx_hbm, tab_hbm, out_hbm, idx_v, ridx_v, buf0, buf1, sem0,
                 sem1):
    wid = lax.axis_index("s") * NUM_CORES + lax.axis_index("c")
    base = wid * BPW

    pltpu.sync_copy(idx_hbm.at[pl.ds(base, BPW)], idx_v)

    @pl.loop(0, BPW, step=LANES)
    def _(i0):
        ridx_v[pl.ds(i0, LANES)] = _line_of(idx_v[pl.ds(i0, LANES)])

    c0 = pltpu.async_copy(tab_hbm.at[ridx_v.at[pl.ds(0, CHUNK)]], buf0, sem0)
    c1 = pltpu.async_copy(
        tab_hbm.at[ridx_v.at[pl.ds(CHUNK, CHUNK)]], buf1, sem1)
    c0.wait()
    pltpu.sync_copy(buf0, out_hbm.at[pl.ds(base, CHUNK), :])
    c1.wait()
    pltpu.sync_copy(buf1, out_hbm.at[pl.ds(base + CHUNK, CHUNK), :])


def _sc_gather(idx, tab):
    mesh = plsc.VectorSubcoreMesh(core_axis_name="c", subcore_axis_name="s")
    cp = dataclasses.replace(
        pltpu.CompilerParams(),
        needs_layout_passes=False,
        use_tc_tiling_on_sc=True,
    )
    run = pl.kernel(
        _gather_body,
        out_type=jax.ShapeDtypeStruct((BATCH, 128), jnp.float32),
        mesh=mesh,
        scratch_types=[
            pltpu.VMEM((BPW,), jnp.int32),
            pltpu.VMEM((BPW,), jnp.int32),
            pltpu.VMEM((CHUNK, 128), jnp.float32),
            pltpu.VMEM((CHUNK, 128), jnp.float32),
            pltpu.SemaphoreType.DMA,
            pltpu.SemaphoreType.DMA,
        ],
        compiler_params=cp,
    )
    return run(idx, tab)


def _finish_body(u_ref, v_ref, gu_ref, gv_ref, out_ref):
    def select(rows, idx_col):
        g = lax.shift_right_logical(idx_col, 13) % ROWS_PER_LINE
        half = jnp.where(g >= 2, rows[:, 2 * DIM:4 * DIM],
                         rows[:, 0:2 * DIM])
        return jnp.where(g % 2 == 1, half[:, DIM:2 * DIM], half[:, 0:DIM])

    usel = select(u_ref[...], gu_ref[...])
    vsel = select(v_ref[...], gv_ref[...])
    dots = jnp.sum(usel * vsel, axis=1, keepdims=True)
    out_ref[...] = 1.0 / (1.0 + jnp.exp(-dots))


def _tc_finish(urows, irows, users_col, items_col):
    return pl.pallas_call(
        _finish_body,
        out_shape=jax.ShapeDtypeStruct((BATCH, 1), jnp.float32),
        grid=(BATCH // TC_BLOCK,),
        in_specs=[
            pl.BlockSpec((TC_BLOCK, 128), lambda i: (i, 0)),
            pl.BlockSpec((TC_BLOCK, 128), lambda i: (i, 0)),
            pl.BlockSpec((TC_BLOCK, 1), lambda i: (i, 0)),
            pl.BlockSpec((TC_BLOCK, 1), lambda i: (i, 0)),
        ],
        out_specs=pl.BlockSpec((TC_BLOCK, 1), lambda i: (i, 0)),
    )(urows, irows, users_col, items_col)


@jax.jit
def kernel(users, items, user_table, item_table):
    ut = _tc_relayout(user_table.T)
    urows = _sc_gather(users, ut)
    it = _tc_relayout(item_table.T)
    irows = _sc_gather(items, it)
    out = _tc_finish(urows, irows,
                     users.reshape(BATCH, 1), items.reshape(BATCH, 1))
    return out.reshape(BATCH)

# --- scband reference (transcript-rebuilt; emitter-appended) ---
"""Pipeline reference for scband-pure-mf-77893526880488 (READ-ONLY COPY).

The authoritative reference and input builder live on the scoring server;
editing this copy changes nothing except your own understanding.
"""

import jax, jax.numpy as jnp
import numpy as np

NUM_USERS = 1000000
NUM_ITEMS = 1000000
LATENT_DIM = 32
BATCH = 16384

def setup_inputs(seed: int = 0) -> dict:
    key = jax.random.key(seed)
    k1, k2, k3, k4 = jax.random.split(key, 4)
    users = jax.random.randint(k1, (BATCH,), 0, NUM_USERS, dtype=jnp.int64 if jax.config.jax_enable_x64 else jnp.int32).astype(jnp.int32)
    items = jax.random.randint(k2, (BATCH,), 0, NUM_ITEMS, dtype=jnp.int32)
    user_table = jax.random.normal(k3, (NUM_USERS, LATENT_DIM), dtype=jnp.float32) * 0.1
    item_table = jax.random.normal(k4, (NUM_ITEMS, LATENT_DIM), dtype=jnp.float32) * 0.1
    return {"users": users, "items": items, "user_table": user_table, "item_table": item_table}

def reference(users, items, user_table, item_table):
    # faithful translation of PureMF.forward
    users_emb = jnp.take(user_table, users, axis=0)   # embedding_user(users)
    items_emb = jnp.take(item_table, items, axis=0)   # embedding_item(items)
    scores = jnp.sum(users_emb * items_emb, axis=1)
    return jax.nn.sigmoid(scores)

if __name__ == "__main__":
    import jax
    _d = setup_inputs()
    print(jax.jit(kernel)(*tuple(_d.values())))

</pallas_src>

<mosaic_0001>
#map = affine_map<(d0, d1) -> (0)>
#map1 = affine_map<(d0, d1) -> (0, 0)>
module attributes {stable_mosaic.version = 14 : i64} {
  func.func @_gather_body(%arg0: i32, %arg1: i32, %arg2: memref<16384xi32, #tpu.memory_space<hbm>>, %arg3: memref<253952x128xf32, #tpu.memory_space<hbm>>, %arg4: memref<16384x128xf32, #tpu.memory_space<hbm>>, %arg5: memref<512xi32, #tpu.memory_space<vmem>>, %arg6: memref<512xi32, #tpu.memory_space<vmem>>, %arg7: memref<256x128xf32, #tpu.memory_space<vmem>>, %arg8: memref<256x128xf32, #tpu.memory_space<vmem>>, %arg9: memref<!tpu.dma_semaphore, #tpu.memory_space<semaphore_mem>>, %arg10: memref<!tpu.dma_semaphore, #tpu.memory_space<semaphore_mem>>) attributes {dimension_semantics = [#tpu.dimension_semantics<core_parallel>, #tpu.dimension_semantics<subcore_parallel>], iteration_bounds = array<i64: 2, 16>, scalar_prefetch = 0 : i64, scratch_operands = 6 : i64, tpu.core_type = #tpu.core_type<sc_vector_subcore>, window_params = [{transform_indices = #map}, {transform_indices = #map1}, {transform_indices = #map1}]} {
    %mul3A = arith.constant 2 : i32
    %mul3A_0 = arith.muli %arg1, %mul3A : i32
    %add3A = arith.addi %mul3A_0, %arg0 : i32
    %mul3A_1 = arith.constant 512 : i32
    %mul3A_2 = arith.muli %add3A, %mul3A_1 : i32
    "tpu.region"() ({
      %run_scoped3A = tpu.sem_alloc : memref<!tpu.dma_semaphore, #tpu.memory_space<semaphore_mem>>
      %dma_start3A_27 = tpu.memref_slice %arg2[%mul3A_2] : memref<16384xi32, #tpu.memory_space<hbm>> -> memref<512xi32, #tpu.memory_space<hbm>>
      %dma_start3A_28 = tpu.memref_slice %arg2[%mul3A_2] : memref<16384xi32, #tpu.memory_space<hbm>> -> memref<512xi32, #tpu.memory_space<hbm>>
      tpu.enqueue_dma source(%dma_start3A_28 : memref<512xi32, #tpu.memory_space<hbm>>) target(%arg5 : memref<512xi32, #tpu.memory_space<vmem>>) target_semaphore(%run_scoped3A : memref<!tpu.dma_semaphore, #tpu.memory_space<semaphore_mem>>)
      %dma_wait3A_29 = tpu.memref_slice %arg2[%mul3A_2] : memref<16384xi32, #tpu.memory_space<hbm>> -> memref<512xi32, #tpu.memory_space<hbm>>
      %dma_wait3A_30 = tpu.memref_slice %arg2[%mul3A_2] : memref<16384xi32, #tpu.memory_space<hbm>> -> memref<512xi32, #tpu.memory_space<hbm>>
      tpu.wait_dma2 semaphore(%run_scoped3A : memref<!tpu.dma_semaphore, #tpu.memory_space<semaphore_mem>>) src(%dma_wait3A_30 : memref<512xi32, #tpu.memory_space<hbm>>) dst(%arg5 : memref<512xi32, #tpu.memory_space<vmem>>)
      tpu.yield
    }) : () -> ()
    %scan3A = arith.constant 0 : i32
    %scan3A_3 = arith.constant 32 : i32
    %scan3A_4 = arith.addi %scan3A, %scan3A_3 : i32
    %scan3A_5 = arith.constant 1 : i32
    scf.for %scan3A_27 = %scan3A to %scan3A_4 step %scan3A_5  : i32 {
      %mul3A_28 = arith.constant 16 : i32
      %mul3A_29 = arith.muli %scan3A_27, %mul3A_28 : i32
      %add3A_30 = arith.constant 0 : i32
      %add3A_31 = arith.addi %add3A_30, %mul3A_29 : i32
      %get3A = arith.index_cast %add3A_31 : i32 to index
      %get3A_32 = tpu.vector_load %arg5[%get3A] {strides = array<i32>} : memref<512xi32, #tpu.memory_space<vmem>>, vector<16xi32>,
      %shift_right_logical3A = arith.constant 15 : i32
      %shift_right_logical3A_33 = vector.broadcast %shift_right_logical3A : i32 to vector<16xi32>
      %shift_right_logical3A_34 = arith.shrui %get3A_32, %shift_right_logical3A_33 : vector<16xi32>
      %shift_left3A = arith.constant 13 : i32
      %shift_left3A_35 = vector.broadcast %shift_left3A : i32 to vector<16xi32>
      %shift_left3A_36 = arith.shli %shift_right_logical3A_34, %shift_left3A_35 : vector<16xi32>
      %and3A = arith.constant 8191 : i32
      %and3A_37 = vector.broadcast %and3A : i32 to vector<16xi32>
      %and3A_38 = arith.andi %get3A_32, %and3A_37 : vector<16xi32>
      %or3A = arith.ori %shift_left3A_36, %and3A_38 : vector<16xi32>
      %swap3A = arith.index_cast %add3A_31 : i32 to index
      %swap3A_39 = tpu.vector_load %arg6[%swap3A] {strides = array<i32>} : memref<512xi32, #tpu.memory_space<vmem>>, vector<16xi32>,
      tpu.vector_store %arg6[%swap3A], %or3A {strides = array<i32>} : memref<512xi32, #tpu.memory_space<vmem>>, vector<16xi32>,
    }
    %scan3A_6 = arith.constant 32 : i32
    %dma_start3A = arith.constant 0 : i32
    %dma_start3A_7 = tpu.memref_slice %arg6[%dma_start3A] : memref<512xi32, #tpu.memory_space<vmem>> -> memref<256xi32, #tpu.memory_space<vmem>>
    %dma_start3A_8 = arith.constant 0 : i32
    %dma_start3A_9 = arith.constant 0 : i32
    %dma_start3A_10 = tpu.memref_slice %arg3[%dma_start3A_8, %dma_start3A_9] : memref<253952x128xf32, #tpu.memory_space<hbm>> -> memref<253952x128xf32, #tpu.memory_space<hbm>>
    tpu.enqueue_indirect_dma source(%dma_start3A_10 : memref<253952x128xf32, #tpu.memory_space<hbm>>) target(%arg7 : memref<256x128xf32, #tpu.memory_space<vmem>>) offsets(%dma_start3A_7 : memref<256xi32, #tpu.memory_space<vmem>>) semaphore(%arg9 : memref<!tpu.dma_semaphore, #tpu.memory_space<semaphore_mem>>)
    %dma_start3A_11 = arith.constant 256 : i32
    %dma_start3A_12 = tpu.memref_slice %arg6[%dma_start3A_11] : memref<512xi32, #tpu.memory_space<vmem>> -> memref<256xi32, #tpu.memory_space<vmem>>
    %dma_start3A_13 = arith.constant 0 : i32
    %dma_start3A_14 = arith.constant 0 : i32
    %dma_start3A_15 = tpu.memref_slice %arg3[%dma_start3A_13, %dma_start3A_14] : memref<253952x128xf32, #tpu.memory_space<hbm>> -> memref<253952x128xf32, #tpu.memory_space<hbm>>
    tpu.enqueue_indirect_dma source(%dma_start3A_15 : memref<253952x128xf32, #tpu.memory_space<hbm>>) target(%arg8 : memref<256x128xf32, #tpu.memory_space<vmem>>) offsets(%dma_start3A_12 : memref<256xi32, #tpu.memory_space<vmem>>) semaphore(%arg10 : memref<!tpu.dma_semaphore, #tpu.memory_space<semaphore_mem>>)
    %dma_wait3A = arith.constant 0 : i32
    %dma_wait3A_16 = tpu.memref_slice %arg6[%dma_wait3A] : memref<512xi32, #tpu.memory_space<vmem>> -> memref<256xi32, #tpu.memory_space<vmem>>
    %dma_wait3A_17 = arith.constant 0 : i32
    %dma_wait3A_18 = arith.constant 0 : i32
    %dma_wait3A_19 = tpu.memref_slice %arg3[%dma_wait3A_17, %dma_wait3A_18] : memref<253952x128xf32, #tpu.memory_space<hbm>> -> memref<253952x128xf32, #tpu.memory_space<hbm>>
    tpu.wait_indirect_dma semaphore(%arg9 : memref<!tpu.dma_semaphore, #tpu.memory_space<semaphore_mem>>) src(%dma_wait3A_19 : memref<253952x128xf32, #tpu.memory_space<hbm>>) dst(%arg7 : memref<256x128xf32, #tpu.memory_space<vmem>>)
    "tpu.region"() ({
      %run_scoped3A = tpu.sem_alloc : memref<!tpu.dma_semaphore, #tpu.memory_space<semaphore_mem>>
      %dma_start3A_27 = arith.constant 0 : i32
      %dma_start3A_28 = tpu.memref_slice %arg4[%mul3A_2, %dma_start3A_27] : memref<16384x128xf32, #tpu.memory_space<hbm>> -> memref<256x128xf32, #tpu.memory_space<hbm>>
      %dma_start3A_29 = arith.constant 0 : i32
      %dma_start3A_30 = tpu.memref_slice %arg4[%mul3A_2, %dma_start3A_29] : memref<16384x128xf32, #tpu.memory_space<hbm>> -> memref<256x128xf32, #tpu.memory_space<hbm>>
      tpu.enqueue_dma source(%arg7 : memref<256x128xf32, #tpu.memory_space<vmem>>) target(%dma_start3A_30 : memref<256x128xf32, #tpu.memory_space<hbm>>) target_semaphore(%run_scoped3A : memref<!tpu.dma_semaphore, #tpu.memory_space<semaphore_mem>>)
      %dma_wait3A_31 = arith.constant 0 : i32
      %dma_wait3A_32 = tpu.memref_slice %arg4[%mul3A_2, %dma_wait3A_31] : memref<16384x128xf32, #tpu.memory_space<hbm>> -> memref<256x128xf32, #tpu.memory_space<hbm>>
      %dma_wait3A_33 = arith.constant 0 : i32
      %dma_wait3A_34 = tpu.memref_slice %arg4[%mul3A_2, %dma_wait3A_33] : memref<16384x128xf32, #tpu.memory_space<hbm>> -> memref<256x128xf32, #tpu.memory_space<hbm>>
      tpu.wait_dma2 semaphore(%run_scoped3A : memref<!tpu.dma_semaphore, #tpu.memory_space<semaphore_mem>>) src(%arg7 : memref<256x128xf32, #tpu.memory_space<vmem>>) dst(%dma_wait3A_34 : memref<256x128xf32, #tpu.memory_space<hbm>>)
      tpu.yield
    }) : () -> ()
    %dma_wait3A_20 = arith.constant 256 : i32
    %dma_wait3A_21 = tpu.memref_slice %arg6[%dma_wait3A_20] : memref<512xi32, #tpu.memory_space<vmem>> -> memref<256xi32, #tpu.memory_space<vmem>>
    %dma_wait3A_22 = arith.constant 0 : i32
    %dma_wait3A_23 = arith.constant 0 : i32
    %dma_wait3A_24 = tpu.memref_slice %arg3[%dma_wait3A_22, %dma_wait3A_23] : memref<253952x128xf32, #tpu.memory_space<hbm>> -> memref<253952x128xf32, #tpu.memory_space<hbm>>
    tpu.wait_indirect_dma semaphore(%arg10 : memref<!tpu.dma_semaphore, #tpu.memory_space<semaphore_mem>>) src(%dma_wait3A_24 : memref<253952x128xf32, #tpu.memory_space<hbm>>) dst(%arg8 : memref<256x128xf32, #tpu.memory_space<vmem>>)
    %add3A_25 = arith.constant 256 : i32
    %add3A_26 = arith.addi %mul3A_2, %add3A_25 : i32
    "tpu.region"() ({
      %run_scoped3A = tpu.sem_alloc : memref<!tpu.dma_semaphore, #tpu.memory_space<semaphore_mem>>
      %dma_start3A_27 = arith.constant 0 : i32
      %dma_start3A_28 = tpu.memref_slice %arg4[%add3A_26, %dma_start3A_27] : memref<16384x128xf32, #tpu.memory_space<hbm>> -> memref<256x128xf32, #tpu.memory_space<hbm>>
      %dma_start3A_29 = arith.constant 0 : i32
      %dma_start3A_30 = tpu.memref_slice %arg4[%add3A_26, %dma_start3A_29] : memref<16384x128xf32, #tpu.memory_space<hbm>> -> memref<256x128xf32, #tpu.memory_space<hbm>>
      tpu.enqueue_dma source(%arg8 : memref<256x128xf32, #tpu.memory_space<vmem>>) target(%dma_start3A_30 : memref<256x128xf32, #tpu.memory_space<hbm>>) target_semaphore(%run_scoped3A : memref<!tpu.dma_semaphore, #tpu.memory_space<semaphore_mem>>)
      %dma_wait3A_31 = arith.constant 0 : i32
      %dma_wait3A_32 = tpu.memref_slice %arg4[%add3A_26, %dma_wait3A_31] : memref<16384x128xf32, #tpu.memory_space<hbm>> -> memref<256x128xf32, #tpu.memory_space<hbm>>
      %dma_wait3A_33 = arith.constant 0 : i32
      %dma_wait3A_34 = tpu.memref_slice %arg4[%add3A_26, %dma_wait3A_33] : memref<16384x128xf32, #tpu.memory_space<hbm>> -> memref<256x128xf32, #tpu.memory_space<hbm>>
      tpu.wait_dma2 semaphore(%run_scoped3A : memref<!tpu.dma_semaphore, #tpu.memory_space<semaphore_mem>>) src(%arg8 : memref<256x128xf32, #tpu.memory_space<vmem>>) dst(%dma_wait3A_34 : memref<256x128xf32, #tpu.memory_space<hbm>>)
      tpu.yield
    }) : () -> ()
    return
  }
}

#map = affine_map<(d0, d1) -> (0)>
#map1 = affine_map<(d0, d1) -> (0, 0)>
module attributes {stable_mosaic.version = 14 : i64} {
  func.func @_gather_body(%arg0: i32, %arg1: i32, %arg2: memref<16384xi32, #tpu.memory_space<hbm>>, %arg3: memref<253952x128xf32, #tpu.memory_space<hbm>>, %arg4: memref<16384x128xf32, #tpu.memory_space<hbm>>, %arg5: memref<512xi32, #tpu.memory_space<vmem>>, %arg6: memref<512xi32, #tpu.memory_space<vmem>>, %arg7: memref<256x128xf32, #tpu.memory_space<vmem>>, %arg8: memref<256x128xf32, #tpu.memory_space<vmem>>, %arg9: memref<!tpu.dma_semaphore, #tpu.memory_space<semaphore_mem>>, %arg10: memref<!tpu.dma_semaphore, #tpu.memory_space<semaphore_mem>>) attributes {dimension_semantics = [#tpu.dimension_semantics<core_parallel>, #tpu.dimension_semantics<subcore_parallel>], iteration_bounds = array<i64: 2, 16>, scalar_prefetch = 0 : i64, scratch_operands = 6 : i64, tpu.core_type = #tpu.core_type<sc_vector_subcore>, window_params = [{transform_indices = #map}, {transform_indices = #map1}, {transform_indices = #map1}]} {
    %mul3A = arith.constant 2 : i32
    %mul3A_0 = arith.muli %arg1, %mul3A : i32
    %add3A = arith.addi %mul3A_0, %arg0 : i32
    %mul3A_1 = arith.constant 512 : i32
    %mul3A_2 = arith.muli %add3A, %mul3A_1 : i32
    "tpu.region"() ({
      %run_scoped3A = tpu.sem_alloc : memref<!tpu.dma_semaphore, #tpu.memory_space<semaphore_mem>>
      %dma_start3A_27 = tpu.memref_slice %arg2[%mul3A_2] : memref<16384xi32, #tpu.memory_space<hbm>> -> memref<512xi32, #tpu.memory_space<hbm>>
      %dma_start3A_28 = tpu.memref_slice %arg2[%mul3A_2] : memref<16384xi32, #tpu.memory_space<hbm>> -> memref<512xi32, #tpu.memory_space<hbm>>
      tpu.enqueue_dma source(%dma_start3A_28 : memref<512xi32, #tpu.memory_space<hbm>>) target(%arg5 : memref<512xi32, #tpu.memory_space<vmem>>) target_semaphore(%run_scoped3A : memref<!tpu.dma_semaphore, #tpu.memory_space<semaphore_mem>>)
      %dma_wait3A_29 = tpu.memref_slice %arg2[%mul3A_2] : memref<16384xi32, #tpu.memory_space<hbm>> -> memref<512xi32, #tpu.memory_space<hbm>>
      %dma_wait3A_30 = tpu.memref_slice %arg2[%mul3A_2] : memref<16384xi32, #tpu.memory_space<hbm>> -> memref<512xi32, #tpu.memory_space<hbm>>
      tpu.wait_dma2 semaphore(%run_scoped3A : memref<!tpu.dma_semaphore, #tpu.memory_space<semaphore_mem>>) src(%dma_wait3A_30 : memref<512xi32, #tpu.memory_space<hbm>>) dst(%arg5 : memref<512xi32, #tpu.memory_space<vmem>>)
      tpu.yield
    }) : () -> ()
    %scan3A = arith.constant 0 : i32
    %scan3A_3 = arith.constant 32 : i32
    %scan3A_4 = arith.addi %scan3A, %scan3A_3 : i32
    %scan3A_5 = arith.constant 1 : i32
    scf.for %scan3A_27 = %scan3A to %scan3A_4 step %scan3A_5  : i32 {
      %mul3A_28 = arith.constant 16 : i32
      %mul3A_29 = arith.muli %scan3A_27, %mul3A_28 : i32
      %add3A_30 = arith.constant 0 : i32
      %add3A_31 = arith.addi %add3A_30, %mul3A_29 : i32
      %get3A = arith.index_cast %add3A_31 : i32 to index
      %get3A_32 = tpu.vector_load %arg5[%get3A] {strides = array<i32>} : memref<512xi32, #tpu.memory_space<vmem>>, vector<16xi32>,
      %shift_right_logical3A = arith.constant 15 : i32
      %shift_right_logical3A_33 = vector.broadcast %shift_right_logical3A : i32 to vector<16xi32>
      %shift_right_logical3A_34 = arith.shrui %get3A_32, %shift_right_logical3A_33 : vector<16xi32>
      %shift_left3A = arith.constant 13 : i32
      %shift_left3A_35 = vector.broadcast %shift_left3A : i32 to vector<16xi32>
      %shift_left3A_36 = arith.shli %shift_right_logical3A_34, %shift_left3A_35 : vector<16xi32>
      %and3A = arith.constant 8191 : i32
      %and3A_37 = vector.broadcast %and3A : i32 to vector<16xi32>
      %and3A_38 = arith.andi %get3A_32, %and3A_37 : vector<16xi32>
      %or3A = arith.ori %shift_left3A_36, %and3A_38 : vector<16xi32>
      %swap3A = arith.index_cast %add3A_31 : i32 to index
      %swap3A_39 = tpu.vector_load %arg6[%swap3A] {strides = array<i32>} : memref<512xi32, #tpu.memory_space<vmem>>, vector<16xi32>,
      tpu.vector_store %arg6[%swap3A], %or3A {strides = array<i32>} : memref<512xi32, #tpu.memory_space<vmem>>, vector<16xi32>,
    }
    %scan3A_6 = arith.constant 32 : i32
    %dma_start3A = arith.constant 0 : i32
    %dma_start3A_7 = tpu.memref_slice %arg6[%dma_start3A] : memref<512xi32, #tpu.memory_space<vmem>> -> memref<256xi32, #tpu.memory_space<vmem>>
    %dma_start3A_8 = arith.constant 0 : i32
    %dma_start3A_9 = arith.constant 0 : i32
    %dma_start3A_10 = tpu.memref_slice %arg3[%dma_start3A_8, %dma_start3A_9] : memref<253952x128xf32, #tpu.memory_space<hbm>> -> memref<253952x128xf32, #tpu.memory_space<hbm>>
    tpu.enqueue_indirect_dma source(%dma_start3A_10 : memref<253952x128xf32, #tpu.memory_space<hbm>>) target(%arg7 : memref<256x128xf32, #tpu.memory_space<vmem>>) offsets(%dma_start3A_7 : memref<256xi32, #tpu.memory_space<vmem>>) semaphore(%arg9 : memref<!tpu.dma_semaphore, #tpu.memory_space<semaphore_mem>>)
    %dma_start3A_11 = arith.constant 256 : i32
    %dma_start3A_12 = tpu.memref_slice %arg6[%dma_start3A_11] : memref<512xi32, #tpu.memory_space<vmem>> -> memref<256xi32, #tpu.memory_space<vmem>>
    %dma_start3A_13 = arith.constant 0 : i32
    %dma_start3A_14 = arith.constant 0 : i32
    %dma_start3A_15 = tpu.memref_slice %arg3[%dma_start3A_13, %dma_start3A_14] : memref<253952x128xf32, #tpu.memory_space<hbm>> -> memref<253952x128xf32, #tpu.memory_space<hbm>>
    tpu.enqueue_indirect_dma source(%dma_start3A_15 : memref<253952x128xf32, #tpu.memory_space<hbm>>) target(%arg8 : memref<256x128xf32, #tpu.memory_space<vmem>>) offsets(%dma_start3A_12 : memref<256xi32, #tpu.memory_space<vmem>>) semaphore(%arg10 : memref<!tpu.dma_semaphore, #tpu.memory_space<semaphore_mem>>)
    %dma_wait3A = arith.constant 0 : i32
    %dma_wait3A_16 = tpu.memref_slice %arg6[%dma_wait3A] : memref<512xi32, #tpu.memory_space<vmem>> -> memref<256xi32, #tpu.memory_space<vmem>>
    %dma_wait3A_17 = arith.constant 0 : i32
    %dma_wait3A_18 = arith.constant 0 : i32
    %dma_wait3A_19 = tpu.memref_slice %arg3[%dma_wait3A_17, %dma_wait3A_18] : memref<253952x128xf32, #tpu.memory_space<hbm>> -> memref<253952x128xf32, #tpu.memory_space<hbm>>
    tpu.wait_indirect_dma semaphore(%arg9 : memref<!tpu.dma_semaphore, #tpu.memory_space<semaphore_mem>>) src(%dma_wait3A_19 : memref<253952x128xf32, #tpu.memory_space<hbm>>) dst(%arg7 : memref<256x128xf32, #tpu.memory_space<vmem>>)
    "tpu.region"() ({
      %run_scoped3A = tpu.sem_alloc : memref<!tpu.dma_semaphore, #tpu.memory_space<semaphore_mem>>
      %dma_start3A_27 = arith.constant 0 : i32
      %dma_start3A_28 = tpu.memref_slice %arg4[%mul3A_2, %dma_start3A_27] : memref<16384x128xf32, #tpu.memory_space<hbm>> -> memref<256x128xf32, #tpu.memory_space<hbm>>
      %dma_start3A_29 = arith.constant 0 : i32
      %dma_start3A_30 = tpu.memref_slice %arg4[%mul3A_2, %dma_start3A_29] : memref<16384x128xf32, #tpu.memory_space<hbm>> -> memref<256x128xf32, #tpu.memory_space<hbm>>
      tpu.enqueue_dma source(%arg7 : memref<256x128xf32, #tpu.memory_space<vmem>>) target(%dma_start3A_30 : memref<256x128xf32, #tpu.memory_space<hbm>>) target_semaphore(%run_scoped3A : memref<!tpu.dma_semaphore, #tpu.memory_space<semaphore_mem>>)
      %dma_wait3A_31 = arith.constant 0 : i32
      %dma_wait3A_32 = tpu.memref_slice %arg4[%mul3A_2, %dma_wait3A_31] : memref<16384x128xf32, #tpu.memory_space<hbm>> -> memref<256x128xf32, #tpu.memory_space<hbm>>
      %dma_wait3A_33 = arith.constant 0 : i32
      %dma_wait3A_34 = tpu.memref_slice %arg4[%mul3A_2, %dma_wait3A_33] : memref<16384x128xf32, #tpu.memory_space<hbm>> -> memref<256x128xf32, #tpu.memory_space<hbm>>
      tpu.wait_dma2 semaphore(%run_scoped3A : memref<!tpu.dma_semaphore, #tpu.memory_space<semaphore_mem>>) src(%arg7 : memref<256x128xf32, #tpu.memory_space<vmem>>) dst(%dma_wait3A_34 : memref<256x128xf32, #tpu.memory_space<hbm>>)
      tpu.yield
    }) : () -> ()
    %dma_wait3A_20 = arith.constant 256 : i32
    %dma_wait3A_21 = tpu.memref_slice %arg6[%dma_wait3A_20] : memref<512xi32, #tpu.memory_space<vmem>> -> memref<256xi32, #tpu.memory_space<vmem>>
    %dma_wait3A_22 = arith.constant 0 : i32
    %dma_wait3A_23 = arith.constant 0 : i32
    %dma_wait3A_24 = tpu.memref_slice %arg3[%dma_wait3A_22, %dma_wait3A_23] : memref<253952x128xf32, #tpu.memory_space<hbm>> -> memref<253952x128xf32, #tpu.memory_space<hbm>>
    tpu.wait_indirect_dma semaphore(%arg10 : memref<!tpu.dma_semaphore, #tpu.memory_space<semaphore_mem>>) src(%dma_wait3A_24 : memref<253952x128xf32, #tpu.memory_space<hbm>>) dst(%arg8 : memref<256x128xf32, #tpu.memory_space<vmem>>)
    %add3A_25 = arith.constant 256 : i32
    %add3A_26 = arith.addi %mul3A_2, %add3A_25 : i32
    "tpu.region"() ({
      %run_scoped3A = tpu.sem_alloc : memref<!tpu.dma_semaphore, #tpu.memory_space<semaphore_mem>>
      %dma_start3A_27 = arith.constant 0 : i32
      %dma_start3A_28 = tpu.memref_slice %arg4[%add3A_26, %dma_start3A_27] : memref<16384x128xf32, #tpu.memory_space<hbm>> -> memref<256x128xf32, #tpu.memory_space<hbm>>
      %dma_start3A_29 = arith.constant 0 : i32
      %dma_start3A_30 = tpu.memref_slice %arg4[%add3A_26, %dma_start3A_29] : memref<16384x128xf32, #tpu.memory_space<hbm>> -> memref<256x128xf32, #tpu.memory_space<hbm>>
      tpu.enqueue_dma source(%arg8 : memref<256x128xf32, #tpu.memory_space<vmem>>) target(%dma_start3A_30 : memref<256x128xf32, #tpu.memory_space<hbm>>) target_semaphore(%run_scoped3A : memref<!tpu.dma_semaphore, #tpu.memory_space<semaphore_mem>>)
      %dma_wait3A_31 = arith.constant 0 : i32
      %dma_wait3A_32 = tpu.memref_slice %arg4[%add3A_26, %dma_wait3A_31] : memref<16384x128xf32, #tpu.memory_space<hbm>> -> memref<256x128xf32, #tpu.memory_space<hbm>>
      %dma_wait3A_33 = arith.constant 0 : i32
      %dma_wait3A_34 = tpu.memref_slice %arg4[%add3A_26, %dma_wait3A_33] : memref<16384x128xf32, #tpu.memory_space<hbm>> -> memref<256x128xf32, #tpu.memory_space<hbm>>
      tpu.wait_dma2 semaphore(%run_scoped3A : memref<!tpu.dma_semaphore, #tpu.memory_space<semaphore_mem>>) src(%arg8 : memref<256x128xf32, #tpu.memory_space<vmem>>) dst(%dma_wait3A_34 : memref<256x128xf32, #tpu.memory_space<hbm>>)
      tpu.yield
    }) : () -> ()
    return
  }
}

module attributes {stable_mosaic.version = 14 : i64} {
  func.func @_relayout_body(%arg0: i32, %arg1: memref<32x32768xf32, #tpu.memory_space<vmem>>, %arg2: memref<8192x128xf32, #tpu.memory_space<vmem>>) attributes {dimension_semantics = [#tpu.dimension_semantics<parallel>], iteration_bounds = array<i64: 31>, scalar_prefetch = 0 : i64, scratch_operands = 0 : i64, tpu.core_type = #tpu.core_type<tc>, window_params = [{transform_indices = @transform_0, window_bounds = array<i64: 32, 32768>}, {transform_indices = @transform_1, window_bounds = array<i64: 8192, 128>}]} {
    %get3A = arith.constant 0 : index
    %get3A_0 = arith.constant 0 : index
    %get3A_1 = vector.load %arg1[%get3A, %get3A_0] : memref<32x32768xf32, #tpu.memory_space<vmem>>, vector<32x8192xf32>
    %get3A_2 = arith.constant 0 : index
    %get3A_3 = arith.constant 8192 : index
    %get3A_4 = vector.load %arg1[%get3A_2, %get3A_3] : memref<32x32768xf32, #tpu.memory_space<vmem>>, vector<32x8192xf32>
    %get3A_5 = arith.constant 0 : index
    %get3A_6 = arith.constant 16384 : index
    %get3A_7 = vector.load %arg1[%get3A_5, %get3A_6] : memref<32x32768xf32, #tpu.memory_space<vmem>>, vector<32x8192xf32>
    %get3A_8 = arith.constant 0 : index
    %get3A_9 = arith.constant 24576 : index
    %get3A_10 = vector.load %arg1[%get3A_8, %get3A_9] : memref<32x32768xf32, #tpu.memory_space<vmem>>, vector<32x8192xf32>
    %concatenate3A = tpu.concatenate %get3A_1, %get3A_4, %get3A_7, %get3A_10 in 0 : vector<32x8192xf32>, vector<32x8192xf32>, vector<32x8192xf32>, vector<32x8192xf32> -> vector<128x8192xf32>
    %transpose3A = tpu.transpose %concatenate3A, [1, 0] : vector<128x8192xf32> -> vector<8192x128xf32>
    %swap3A = arith.constant 0 : index
    %swap3A_11 = arith.constant 0 : index
    %swap3A_12 = vector.load %arg2[%swap3A, %swap3A_11] : memref<8192x128xf32, #tpu.memory_space<vmem>>, vector<8192x128xf32>
    tpu.vector_store %arg2[%swap3A, %swap3A_11], %transpose3A {strides = array<i32>} : memref<8192x128xf32, #tpu.memory_space<vmem>>, vector<8192x128xf32>,
    return
  }
  func.func @transform_0(%arg0: i32) -> (i32, i32) {
    %c0_i32 = arith.constant 0 : i32
    %c0_i32_0 = arith.constant 0 : i32
    return %c0_i32, %arg0 : i32, i32
  }
  func.func @transform_1(%arg0: i32) -> (i32, i32) {
    %c0_i32 = arith.constant 0 : i32
    %c0_i32_0 = arith.constant 0 : i32
    return %arg0, %c0_i32 : i32, i32
  }
}

module attributes {stable_mosaic.version = 14 : i64} {
  func.func @_finish_body(%arg0: i32, %arg1: memref<2048x128xf32, #tpu.memory_space<vmem>>, %arg2: memref<2048x128xf32, #tpu.memory_space<vmem>>, %arg3: memref<2048x1xi32, #tpu.memory_space<vmem>>, %arg4: memref<2048x1xi32, #tpu.memory_space<vmem>>, %arg5: memref<2048x1xf32, #tpu.memory_space<vmem>>) attributes {dimension_semantics = [#tpu.dimension_semantics<arbitrary>], iteration_bounds = array<i64: 8>, scalar_prefetch = 0 : i64, scratch_operands = 0 : i64, tpu.core_type = #tpu.core_type<tc>, window_params = [{transform_indices = @transform_0, window_bounds = array<i64: 2048, 128>}, {transform_indices = @transform_1, window_bounds = array<i64: 2048, 128>}, {transform_indices = @transform_2, window_bounds = array<i64: 2048, 1>}, {transform_indices = @transform_3, window_bounds = array<i64: 2048, 1>}, {transform_indices = @transform_4, window_bounds = array<i64: 2048, 1>}]} {
    %get3A = arith.constant 0 : index
    %get3A_0 = arith.constant 0 : index
    %get3A_1 = vector.load %arg1[%get3A, %get3A_0] : memref<2048x128xf32, #tpu.memory_space<vmem>>, vector<2048x128xf32>
    %get3A_2 = arith.constant 0 : index
    %get3A_3 = arith.constant 0 : index
    %get3A_4 = vector.load %arg3[%get3A_2, %get3A_3] : memref<2048x1xi32, #tpu.memory_space<vmem>>, vector<2048x1xi32>
    %shift_right_logical3A = arith.constant 13 : i32
    %shift_right_logical3A_5 = vector.broadcast %shift_right_logical3A : i32 to vector<2048x1xi32>
    %shift_right_logical3A_6 = arith.shrui %get3A_4, %shift_right_logical3A_5 : vector<2048x1xi32>
    %jit3A = arith.constant 4 : i32
    %eq3A = arith.constant 0 : i32
    %eq3A_7 = arith.cmpi eq, %jit3A, %eq3A : i32
    %jit3A_8 = arith.constant 1 : i32
    %select_n3A = arith.select %eq3A_7, %jit3A_8, %jit3A : i32
    %rem3A = vector.broadcast %select_n3A : i32 to vector<2048x1xi32>
    %rem3A_9 = arith.remsi %shift_right_logical3A_6, %rem3A : vector<2048x1xi32>
    %ne3A = arith.constant 0 : i32
    %ne3A_10 = vector.broadcast %ne3A : i32 to vector<2048x1xi32>
    %ne3A_11 = arith.cmpi ne, %rem3A_9, %ne3A_10 : vector<2048x1xi32>
    %lt3A = arith.constant 0 : i32
    %lt3A_12 = vector.broadcast %lt3A : i32 to vector<2048x1xi32>
    %lt3A_13 = arith.cmpi slt, %rem3A_9, %lt3A_12 : vector<2048x1xi32>
    %lt3A_14 = arith.constant 0 : i32
    %lt3A_15 = arith.cmpi slt, %select_n3A, %lt3A_14 : i32
    %ne3A_16 = vector.broadcast %lt3A_15 : i1 to vector<2048x1xi1>
    %ne3A_17 = vector.broadcast %ne3A_16 : vector<2048x1xi1> to vector<2048x1xi1>
    %ne3A_18 = arith.xori %lt3A_13, %ne3A_17 : vector<2048x1xi1>
    %and3A = arith.andi %ne3A_18, %ne3A_11 : vector<2048x1xi1>
    %add3A = vector.broadcast %select_n3A : i32 to vector<2048x1xi32>
    %add3A_19 = arith.addi %rem3A_9, %add3A : vector<2048x1xi32>
    %select_n3A_20 = arith.select %and3A, %add3A_19, %rem3A_9 : vector<2048x1xi1>, vector<2048x1xi32>
    %ge3A = arith.constant 2 : i32
    %ge3A_21 = vector.broadcast %ge3A : i32 to vector<2048x1xi32>
    %ge3A_22 = arith.cmpi sge, %select_n3A_20, %ge3A_21 : vector<2048x1xi32>
    %slice3A = vector.extract_strided_slice %get3A_1 {offsets = [0, 64], sizes = [2048, 64], strides = [1, 1]} : vector<2048x128xf32> to vector<2048x64xf32>
    %slice3A_23 = vector.extract_strided_slice %get3A_1 {offsets = [0, 0], sizes = [2048, 64], strides = [1, 1]} : vector<2048x128xf32> to vector<2048x64xf32>
    %broadcast_in_dim3A = vector.shape_cast %ge3A_22 : vector<2048x1xi1> to vector<2048x1xi1>
    %broadcast_in_dim3A_24 = vector.broadcast %broadcast_in_dim3A : vector<2048x1xi1> to vector<2048x64xi1>
    %select_n3A_25 = arith.select %broadcast_in_dim3A_24, %slice3A, %slice3A_23 : vector<2048x64xi1>, vector<2048x64xf32>
    %jit3A_26 = arith.constant 2 : i32
    %eq3A_27 = arith.constant 0 : i32
    %eq3A_28 = arith.cmpi eq, %jit3A_26, %eq3A_27 : i32
    %jit3A_29 = arith.constant 1 : i32
    %select_n3A_30 = arith.select %eq3A_28, %jit3A_29, %jit3A_26 : i32
    %rem3A_31 = vector.broadcast %select_n3A_30 : i32 to vector<2048x1xi32>
    %rem3A_32 = arith.remsi %select_n3A_20, %rem3A_31 : vector<2048x1xi32>
    %ne3A_33 = arith.constant 0 : i32
    %ne3A_34 = vector.broadcast %ne3A_33 : i32 to vector<2048x1xi32>
    %ne3A_35 = arith.cmpi ne, %rem3A_32, %ne3A_34 : vector<2048x1xi32>
    %lt3A_36 = arith.constant 0 : i32
    %lt3A_37 = vector.broadcast %lt3A_36 : i32 to vector<2048x1xi32>
    %lt3A_38 = arith.cmpi slt, %rem3A_32, %lt3A_37 : vector<2048x1xi32>
    %lt3A_39 = arith.constant 0 : i32
    %lt3A_40 = arith.cmpi slt, %select_n3A_30, %lt3A_39 : i32
    %ne3A_41 = vector.broadcast %lt3A_40 : i1 to vector<2048x1xi1>
    %ne3A_42 = vector.broadcast %ne3A_41 : vector<2048x1xi1> to vector<2048x1xi1>
    %ne3A_43 = arith.xori %lt3A_38, %ne3A_42 : vector<2048x1xi1>
    %and3A_44 = arith.andi %ne3A_43, %ne3A_35 : vector<2048x1xi1>
    %add3A_45 = vector.broadcast %select_n3A_30 : i32 to vector<2048x1xi32>
    %add3A_46 = arith.addi %rem3A_32, %add3A_45 : vector<2048x1xi32>
    %select_n3A_47 = arith.select %and3A_44, %add3A_46, %rem3A_32 : vector<2048x1xi1>, vector<2048x1xi32>
    %eq3A_48 = arith.constant 1 : i32
    %eq3A_49 = vector.broadcast %eq3A_48 : i32 to vector<2048x1xi32>
    %eq3A_50 = arith.cmpi eq, %select_n3A_47, %eq3A_49 : vector<2048x1xi32>
    %slice3A_51 = vector.extract_strided_slice %select_n3A_25 {offsets = [0, 32], sizes = [2048, 32], strides = [1, 1]} : vector<2048x64xf32> to vector<2048x32xf32>
    %slice3A_52 = vector.extract_strided_slice %select_n3A_25 {offsets = [0, 0], sizes = [2048, 32], strides = [1, 1]} : vector<2048x64xf32> to vector<2048x32xf32>
    %broadcast_in_dim3A_53 = vector.shape_cast %eq3A_50 : vector<2048x1xi1> to vector<2048x1xi1>
    %broadcast_in_dim3A_54 = vector.broadcast %broadcast_in_dim3A_53 : vector<2048x1xi1> to vector<2048x32xi1>
    %select_n3A_55 = arith.select %broadcast_in_dim3A_54, %slice3A_51, %slice3A_52 : vector<2048x32xi1>, vector<2048x32xf32>
    %get3A_56 = arith.constant 0 : index
    %get3A_57 = arith.constant 0 : index
    %get3A_58 = vector.load %arg2[%get3A_56, %get3A_57] : memref<2048x128xf32, #tpu.memory_space<vmem>>, vector<2048x128xf32>
    %get3A_59 = arith.constant 0 : index
    %get3A_60 = arith.constant 0 : index
    %get3A_61 = vector.load %arg4[%get3A_59, %get3A_60] : memref<2048x1xi32, #tpu.memory_space<vmem>>, vector<2048x1xi32>
    %shift_right_logical3A_62 = arith.constant 13 : i32
    %shift_right_logical3A_63 = vector.broadcast %shift_right_logical3A_62 : i32 to vector<2048x1xi32>
    %shift_right_logical3A_64 = arith.shrui %get3A_61, %shift_right_logical3A_63 : vector<2048x1xi32>
    %jit3A_65 = arith.constant 4 : i32
    %eq3A_66 = arith.constant 0 : i32
    %eq3A_67 = arith.cmpi eq, %jit3A_65, %eq3A_66 : i32
    %jit3A_68 = arith.constant 1 : i32
    %select_n3A_69 = arith.select %eq3A_67, %jit3A_68, %jit3A_65 : i32
    %rem3A_70 = vector.broadcast %select_n3A_69 : i32 to vector<2048x1xi32>
    %rem3A_71 = arith.remsi %shift_right_logical3A_64, %rem3A_70 : vector<2048x1xi32>
    %ne3A_72 = arith.constant 0 : i32
    %ne3A_73 = vector.broadcast %ne3A_72 : i32 to vector<2048x1xi32>
    %ne3A_74 = arith.cmpi ne, %rem3A_71, %ne3A_73 : vector<2048x1xi32>
    %lt3A_75 = arith.constant 0 : i32
    %lt3A_76 = vector.broadcast %lt3A_75 : i32 to vector<2048x1xi32>
    %lt3A_77 = arith.cmpi slt, %rem3A_71, %lt3A_76 : vector<2048x1xi32>
    %lt3A_78 = arith.constant 0 : i32
    %lt3A_79 = arith.cmpi slt, %select_n3A_69, %lt3A_78 : i32
    %ne3A_80 = vector.broadcast %lt3A_79 : i1 to vector<2048x1xi1>
    %ne3A_81 = vector.broadcast %ne3A_80 : vector<2048x1xi1> to vector<2048x1xi1>
    %ne3A_82 = arith.xori %lt3A_77, %ne3A_81 : vector<2048x1xi1>
    %and3A_83 = arith.andi %ne3A_82, %ne3A_74 : vector<2048x1xi1>
    %add3A_84 = vector.broadcast %select_n3A_69 : i32 to vector<2048x1xi32>
    %add3A_85 = arith.addi %rem3A_71, %add3A_84 : vector<2048x1xi32>
    %select_n3A_86 = arith.select %and3A_83, %add3A_85, %rem3A_71 : vector<2048x1xi1>, vector<2048x1xi32>
    %ge3A_87 = arith.constant 2 : i32
    %ge3A_88 = vector.broadcast %ge3A_87 : i32 to vector<2048x1xi32>
    %ge3A_89 = arith.cmpi sge, %select_n3A_86, %ge3A_88 : vector<2048x1xi32>
    %slice3A_90 = vector.extract_strided_slice %get3A_58 {offsets = [0, 64], sizes = [2048, 64], strides = [1, 1]} : vector<2048x128xf32> to vector<2048x64xf32>
    %slice3A_91 = vector.extract_strided_slice %get3A_58 {offsets = [0, 0], sizes = [2048, 64], strides = [1, 1]} : vector<2048x128xf32> to vector<2048x64xf32>
    %broadcast_in_dim3A_92 = vector.shape_cast %ge3A_89 : vector<2048x1xi1> to vector<2048x1xi1>
    %broadcast_in_dim3A_93 = vector.broadcast %broadcast_in_dim3A_92 : vector<2048x1xi1> to vector<2048x64xi1>
    %select_n3A_94 = arith.select %broadcast_in_dim3A_93, %slice3A_90, %slice3A_91 : vector<2048x64xi1>, vector<2048x64xf32>
    %jit3A_95 = arith.constant 2 : i32
    %eq3A_96 = arith.constant 0 : i32
    %eq3A_97 = arith.cmpi eq, %jit3A_95, %eq3A_96 : i32
    %jit3A_98 = arith.constant 1 : i32
    %select_n3A_99 = arith.select %eq3A_97, %jit3A_98, %jit3A_95 : i32
    %rem3A_100 = vector.broadcast %select_n3A_99 : i32 to vector<2048x1xi32>
    %rem3A_101 = arith.remsi %select_n3A_86, %rem3A_100 : vector<2048x1xi32>
    %ne3A_102 = arith.constant 0 : i32
    %ne3A_103 = vector.broadcast %ne3A_102 : i32 to vector<2048x1xi32>
    %ne3A_104 = arith.cmpi ne, %rem3A_101, %ne3A_103 : vector<2048x1xi32>
    %lt3A_105 = arith.constant 0 : i32
    %lt3A_106 = vector.broadcast %lt3A_105 : i32 to vector<2048x1xi32>
    %lt3A_107 = arith.cmpi slt, %rem3A_101, %lt3A_106 : vector<2048x1xi32>
    %lt3A_108 = arith.constant 0 : i32
    %lt3A_109 = arith.cmpi slt, %select_n3A_99, %lt3A_108 : i32
    %ne3A_110 = vector.broadcast %lt3A_109 : i1 to vector<2048x1xi1>
    %ne3A_111 = vector.broadcast %ne3A_110 : vector<2048x1xi1> to vector<2048x1xi1>
    %ne3A_112 = arith.xori %lt3A_107, %ne3A_111 : vector<2048x1xi1>
    %and3A_113 = arith.andi %ne3A_112, %ne3A_104 : vector<2048x1xi1>
    %add3A_114 = vector.broadcast %select_n3A_99 : i32 to vector<2048x1xi32>
    %add3A_115 = arith.addi %rem3A_101, %add3A_114 : vector<2048x1xi32>
    %select_n3A_116 = arith.select %and3A_113, %add3A_115, %rem3A_101 : vector<2048x1xi1>, vector<2048x1xi32>
    %eq3A_117 = arith.constant 1 : i32
    %eq3A_118 = vector.broadcast %eq3A_117 : i32 to vector<2048x1xi32>
    %eq3A_119 = arith.cmpi eq, %select_n3A_116, %eq3A_118 : vector<2048x1xi32>
    %slice3A_120 = vector.extract_strided_slice %select_n3A_94 {offsets = [0, 32], sizes = [2048, 32], strides = [1, 1]} : vector<2048x64xf32> to vector<2048x32xf32>
    %slice3A_121 = vector.extract_strided_slice %select_n3A_94 {offsets = [0, 0], sizes = [2048, 32], strides = [1, 1]} : vector<2048x64xf32> to vector<2048x32xf32>
    %broadcast_in_dim3A_122 = vector.shape_cast %eq3A_119 : vector<2048x1xi1> to vector<2048x1xi1>
    %broadcast_in_dim3A_123 = vector.broadcast %broadcast_in_dim3A_122 : vector<2048x1xi1> to vector<2048x32xi1>
    %select_n3A_124 = arith.select %broadcast_in_dim3A_123, %slice3A_120, %slice3A_121 : vector<2048x32xi1>, vector<2048x32xf32>
    %mul3A = arith.mulf %select_n3A_55, %select_n3A_124 : vector<2048x32xf32>
    %reduce_sum3A = arith.constant dense<0.000000e+00> : vector<2048xf32>
    %reduce_sum3A_125 = vector.multi_reduction <add>, %mul3A, %reduce_sum3A [1] : vector<2048x32xf32> to vector<2048xf32>
    %broadcast_in_dim3A_126 = vector.shape_cast %reduce_sum3A_125 : vector<2048xf32> to vector<2048x1xf32>
    %neg3A = arith.constant 0.000000e+00 : f32
    %neg3A_127 = vector.broadcast %neg3A : f32 to vector<2048x1xf32>
    %neg3A_128 = arith.subf %neg3A_127, %broadcast_in_dim3A_126 : vector<2048x1xf32>
    %exp3A = math.exp %neg3A_128 : vector<2048x1xf32>
    %add3A_129 = arith.constant 1.000000e+00 : f32
    %add3A_130 = vector.broadcast %add3A_129 : f32 to vector<2048x1xf32>
    %add3A_131 = arith.addf %add3A_130, %exp3A : vector<2048x1xf32>
    %div3A = arith.constant 1.000000e+00 : f32
    %div3A_132 = vector.broadcast %div3A : f32 to vector<2048x1xf32>
    %div3A_133 = arith.divf %div3A_132, %add3A_131 : vector<2048x1xf32>
    %swap3A = arith.constant 0 : index
    %swap3A_134 = arith.constant 0 : index
    %swap3A_135 = vector.load %arg5[%swap3A, %swap3A_134] : memref<2048x1xf32, #tpu.memory_space<vmem>>, vector<2048x1xf32>
    tpu.vector_store %arg5[%swap3A, %swap3A_134], %div3A_133 {strides = array<i32>} : memref<2048x1xf32, #tpu.memory_space<vmem>>, vector<2048x1xf32>,
    return
  }
  func.func @transform_0(%arg0: i32) -> (i32, i32) {
    %c0_i32 = arith.constant 0 : i32
    %c0_i32_0 = arith.constant 0 : i32
    return %arg0, %c0_i32 : i32, i32
  }
  func.func @transform_1(%arg0: i32) -> (i32, i32) {
    %c0_i32 = arith.constant 0 : i32
    %c0_i32_0 = arith.constant 0 : i32
    return %arg0, %c0_i32 : i32, i32
  }
  func.func @transform_2(%arg0: i32) -> (i32, i32) {
    %c0_i32 = arith.constant 0 : i32
    %c0_i32_0 = arith.constant 0 : i32
    return %arg0, %c0_i32 : i32, i32
  }
  func.func @transform_3(%arg0: i32) -> (i32, i32) {
    %c0_i32 = arith.constant 0 : i32
    %c0_i32_0 = arith.constant 0 : i32
    return %arg0, %c0_i32 : i32, i32
  }
  func.func @transform_4(%arg0: i32) -> (i32, i32) {
    %c0_i32 = arith.constant 0 : i32
    %c0_i32_0 = arith.constant 0 : i32
    return %arg0, %c0_i32 : i32, i32
  }
}

</mosaic_0001>

<sc_bundles>
// kernel: kernel.10.cloned.1.call-start
scs
__scs_entry_jumppad:
0x0: {  	(pc) =	sbr.rel $0x88, $3  }
0x1: {  	(tag) =	ssettag $0x0;
	lr =	simm.s32 $0x1  }
0x2: {  	[smem:$0x3F9D] =	sst lr;
	_ =	strace $0xD0000000  }
0x3: {  	_ = 	snop  }
0x4: {  	_ = 	snop  }
0x5: {  	_ = 	snop  }
0x6: {  	_ = 	snop  }
0x7: {  	_ = 	snop  }
__scs_overlays_trampoline_lowered:
0x8: {  	[smem:$0x3FAC] =	sst s0  }
0x9: {  	[smem:$0x3FAD] =	sst s1  }
0xa: {  	[smem:$0x3FAE] =	sst s2  }
0xb: {  	[smem:$0x3FAF] =	sst s3  }
0xc: {  	[smem:$0x3FB0] =	sst s4  }
0xd: {  	[smem:$0x3FB1] =	sst s5  }
0xe: {  	[smem:$0x3FB2] =	sst s6  }
0xf: {  	[smem:$0x3FB3] =	sst s7  }
0x10: {  	[smem:$0x3FB4] =	sst s8  }
0x11: {  	[smem:$0x3FB5] =	sst s9;
	s0 =	simm.s32 @!p0 $0x0  }
0x12: {  	s1 =	sld [smem:$0x3F9B];
	s0 =	simm.s32 @p0 $0x1  }
0x13: {  	[smem:$0x3FB6] =	sst s0;
	s0 =	simm.s32 @!p1 $0x0  }
0x14: {  	s2 =	sld [smem:$0x3F9A];
	s0 =	simm.s32 @p1 $0x1  }
0x15: {  	[smem:$0x3FB7] =	sst s0;
	s0 =	simm.s32 @!p2 $0x0  }
0x16: {  	s3 =	sld [smem:$0x3FDB];
	s0 =	simm.s32 @p2 $0x1  }
0x17: {  	s4 =	simm.s32 $0x1BF5;
	[smem:$0x3FB9] =	sst s0  }
0x18: {  	s0 =	sld [smem:$0x3F9C];
	_ =	swait.ge [sflag:s4], $0x0  }
0x19: {  	s7 =	sld [smem:$0x3F9D]  }
0x1a: {  	s8 =	sadd.s32 $0xFFFFE003, lr  }
0x1b: {  	s9 =	sadd.s32 $0xFFFFFEF7, lr;
	s5 =	simm.s32 $0xFFFFFFFF;
	p2 =	slt.u32 s8, $0xFFFFF086  }
0x1c: {  	p1 =	slt.u32 s9, $0xF7A;
	s5 =	simm.s32 @!p2 $0x0  }
0x1d: {  	s5 =	simm.s32 @p1 $0x1;
	p0 =	seq.s32 s7, s2  }
0x1e: {  	s7 =	smul.u32 @!p0 $0xF7A, s2;
	p2 =	seq.s32 @!p0 s5, $0x0  }
0x1f: {  	s9 =	smul.u32 $0xF7A, s1;
	s8 =	simm.s32 @!p0 $0x1BF5;
	p2 =	por !p2, p0  }
0x20: {  	[sflag:s8] =	ssyncset.s32 @!p0 $0xFFFFF086;
	s6 =	sadd.s32 @!p0 s3, s7;
	s7 =	simm.s32 @!p0 $0x108  }
0x21: {  	s3 =	sadd.s32 s3, s9;
	s6 =	sadd.s32 @!p0 $0x88, s6;
	s7 =	simm.s32 @p2 $0x1082  }
0x22: {  	[simem:s7], [sflag:s8] =	dma.local @!p0 [hbm:s6], $0xF7A  }
0x23: {  	s9 =	sor.u32 $0xD0000000, s2;
	s6 =	simm.s32 $0x108;
	_ =	swait.ge @!p0 [sflag:s8], $0x0  }
0x24: {  	s3 =	sadd.s32 $0x88, s3;
	s6 =	simm.s32 @!p1 $0x1082;
	[sflag:s4] =	ssyncset.s32 $0xFFFFF086  }
0x25: {  	[simem:s6], [sflag:s4] =	dma.local [hbm:s3], $0xF7A  }
0x26: {  	[smem:$0x3F9D] =	sst s1;
	(tag) =	ssettag s2;
	_ =	strace s9  }
0x27: {  	s1 =	sld [smem:$0x3FAD]  }
0x28: {  	s2 =	sld [smem:$0x3FAE]  }
0x29: {  	s4 =	sld [smem:$0x3FB0]  }
0x2a: {  	p0 =	seq.s32 s5, $0x0;
	s5 =	sld [smem:$0x3FB1]  }
0x2b: {  	s6 =	sld [smem:$0x3FB2]  }
0x2c: {  	s7 =	sld [smem:$0x3FB3]  }
0x2d: {  	s3 =	simm.s32 $0x108;
	s8 =	sld [smem:$0x3FB4]  }
0x2e: {  	s3 =	simm.s32 @!p0 $0x1082;
	s9 =	sld [smem:$0x3FB5]  }
0x2f: {  	lr =	sadd.s32 s0, s3;
	s0 =	sld [smem:$0x3FAC]  }
0x30: {  	s3 =	sld [smem:$0x3FAF]  }
0x31: {  	[smem:$0x3FB8] =	sst s10  }
0x32: {  	s10 =	sld [smem:$0x3FB6];
	_ =	sdelay $0x3  }
0x33: {  	p0 =	seq.s32 s10, $0x1;
	s10 =	sld [smem:$0x3FB8];
	_ =	sdelay $0x3  }
0x34: {  	[smem:$0x3FB8] =	sst s10  }
0x35: {  	s10 =	sld [smem:$0x3FB7];
	_ =	sdelay $0x3  }
0x36: {  	p1 =	seq.s32 s10, $0x1;
	s10 =	sld [smem:$0x3FB8];
	_ =	sdelay $0x3  }
0x37: {  	[smem:$0x3FB8] =	sst s10  }
0x38: {  	s10 =	sld [smem:$0x3FB9]  }
0x39: {  	_ = 	snop;
	(pc) =	sbr.ind lr, $3  }
0x3a: {  	_ = 	snop  }
0x3b: {  	_ = 	snop  }
0x3c: {  	p2 =	seq.s32 s10, $0x1;
	s10 =	sld [smem:$0x3FB8]  }
0x3d: {  	_ =	shalt  }
0x3e: {  	_ =	shalt  }
0x3f: {  	_ =	shalt  }
0x40: {  	_ =	shalt  }
0x41: {  	_ =	shalt  }
0x42: {  	_ =	shalt  }
0x43: {  	_ =	shalt  }
0x44: {  	_ =	shalt  }
0x45: {  	_ =	shalt  }
0x46: {  	_ =	shalt  }
0x47: {  	_ =	shalt  }
0x48: {  	_ =	shalt  }
0x49: {  	_ =	shalt  }
0x4a: {  	_ =	shalt  }
0x4b: {  	_ =	shalt  }
0x4c: {  	_ =	shalt  }
0x4d: {  	_ =	shalt  }
0x4e: {  	_ =	shalt  }
0x4f: {  	_ =	shalt  }
0x50: {  	_ =	shalt  }
0x51: {  	_ =	shalt  }
0x52: {  	_ =	shalt  }
0x53: {  	_ =	shalt  }
0x54: {  	_ =	shalt  }
0x55: {  	_ =	shalt  }
0x56: {  	_ =	shalt  }
0x57: {  	_ =	shalt  }
0x58: {  	_ =	shalt  }
0x59: {  	_ =	shalt  }
0x5a: {  	_ =	shalt  }
0x5b: {  	_ =	shalt  }
0x5c: {  	_ =	shalt  }
0x5d: {  	_ =	shalt  }
0x5e: {  	_ =	shalt  }
0x5f: {  	_ =	shalt  }
0x60: {  	_ =	shalt  }
0x61: {  	_ =	shalt  }
0x62: {  	_ =	shalt  }
0x63: {  	_ =	shalt  }
0x64: {  	_ =	shalt  }
0x65: {  	_ =	shalt  }
0x66: {  	_ =	shalt  }
0x67: {  	_ =	shalt  }
0x68: {  	_ =	shalt  }
0x69: {  	_ =	shalt  }
0x6a: {  	_ =	shalt  }
0x6b: {  	_ =	shalt  }
0x6c: {  	_ =	shalt  }
0x6d: {  	_ =	shalt  }
0x6e: {  	_ =	shalt  }
0x6f: {  	_ =	shalt  }
0x70: {  	_ =	shalt  }
0x71: {  	_ =	shalt  }
0x72: {  	_ =	shalt  }
0x73: {  	_ =	shalt  }
0x74: {  	_ =	shalt  }
0x75: {  	_ =	shalt  }
0x76: {  	_ =	shalt  }
0x77: {  	_ =	shalt  }
0x78: {  	_ =	shalt  }
0x79: {  	_ =	shalt  }
0x7a: {  	_ =	shalt  }
0x7b: {  	_ =	shalt  }
0x7c: {  	_ =	shalt  }
0x7d: {  	_ =	shalt  }
0x7e: {  	_ =	shalt  }
0x7f: {  	_ =	shalt  }
0x80: {  	_ =	shalt  }
0x81: {  	_ =	shalt  }
0x82: {  	_ =	shalt  }
0x83: {  	_ =	shalt  }
0x84: {  	_ =	shalt  }
0x85: {  	_ =	shalt  }
0x86: {  	_ =	shalt  }
0x87: {  	_ =	shalt  }
.Lfunc_end0:
.L_simem_size_0:
called_computation.1_lowered:
.L_overlay_start_0:
0x88: {  	s2 =	sld [smem:$0x3FD9]  }
0x89: {  	s3 =	sld [smem:$0x3FFE];
	_ =	sdelay $0x1  }
0x8a: {  	s1 =	srdreg.scid  }
0x8b: {  	s0 =	sand.u32 $0x1, s1  }
0x8c: {  	s17 =	sshll.u32 s0, $0xA;
	s2 =	sadd.s32 s3, s2  }
0x8d: {  	s2 =	sadd.s32 s2, s17  }
0x8e: {  	[smem:$0x3FC4] =	sst s2  }
0x8f: {  	_ = 	snop  }
0x90: {  	s2 =	sld [smem:$0x3FC8];
	(tm) =	ssettm $0x1  }
0x91: {  	s18 =	sld [smem:$0x3FFB];
	_ =	sdelay $0x3  }
0x92: {  	_ =	strace s18  }
0x93: {  	s3 =	sld [smem:$0x3FFC];
	_ =	sdelay $0x3  }
0x94: {  	_ =	strace s3  }
0x95: {  	s3 =	sld [smem:$0x3FFD];
	_ =	sdelay $0x3  }
0x96: {  	_ =	strace s3  }
0x97: {  	_ =	strace $0x8FFFFFFF  }
0x98: {  	s19 =	sld [smem:$0x3FDB];
	_ =	sdelay $0x1  }
0x99: {  	s4 =	simm.s32 $_scs_section_size  }
0x9a: {  	s5 =	simm.s32 $_size__tile_overlayer_lowered;
	s6 =	simm.s32 $_tile_overlayer_lowered  }
0x9b: {  	s22 =	simm.s32 $0x1BFF;
	s21 =	sshll.u32 s6, $0x1;
	s3 =	sadd.s32 s4, s19  }
0x9c: {  	s7 =	simm.s32 $0x0;
	s20 =	sshll.u32 s5, $0x1;
	s5 =	sadd.s32 s21, s3  }
0x9d: {  	[timem:s7], [sflag:s22] =	dma.local [hbm:s5], s20  }
0x9e: {  	_ =	swait.ge [sflag:s22], s20  }
0x9f: {  	s4 =	ssub.s32 $0x0, s20;
	[sflag:s22] =	ssyncset.done $0x0  }
0xa0: {  	[sflag:s22] =	ssyncadd.s32 s4;
	_ =	sdelay $0x1  }
0xa1: {  	s23 =	simm.s32 $0x1B8B  }
0xa2: {  	_ =	swait.ge [sflag:s23], $0x1  }
0xa3: {  	[sflag:s23] =	ssyncset.done $0x0  }
0xa4: {  	s25 =	simm.s32 $0x1B8E;
	s24 =	sld [smem:$0x3FFE];
	[sflag:s23] =	ssyncadd.s32 $0xFFFFFFFF  }
0xa5: {  	s26 =	simm.s32 $execute0_lowered;
	[smem:$0x3FD2] =	sst s25  }
0xa6: {  	s5 =	sshll.u32 s26, $0x1;
	_ =	strace $0x80000046;
	[dreg:$0x1] =	wrdreg $0xFFFFFFFF  }
0xa7: {  	s28 =	simm.s32 $_size_execute0_lowered;
	s3 =	sadd.s32 s3, s5;
	[dreg:$0x0] =	wrdreg $0x0  }
0xa8: {  	s5 =	sshll.u32 s28, $0x1;
	[dreg:$0x2] =	wrdreg s3  }
0xa9: {  	[dreg:$0x3] =	wrdreg s5  }
0xaa: {  	[dreg:$0x4] =	wrdreg $0xC0  }
0xab: {  	_ =	task [dreg:s7], $0x5FFFF  }
0xac: {  	[dreg:$0x1] =	wrdreg $0xFFFFFFFF  }
0xad: {  	[dreg:$0x0] =	wrdreg $0x60  }
0xae: {  	[dreg:$0x2] =	wrdreg s2  }
0xaf: {  	[dreg:$0x3] =	wrdreg s24  }
0xb0: {  	[dreg:$0x4] =	wrdreg $0xA  }
0xb1: {  	_ =	task.clear_ibuf [dreg:s7], $0x5FFFF;
	_ =	strace $0x90000046  }
0xb2: {  	s29 =	simm.s32 $0xA;
	_ =	strace $0x80000048  }
0xb3: {  	_ =	swait.ge [sflag:s29], $0x1  }
0xb4: {  	[sflag:s29] =	ssyncadd.s32 $0xFFFFFFFF  }
0xb5: {  	_ =	strace $0x90000048  }
0xb6: {  	_ =	sfence  }
0xb7: {  	s30 =	sld [smem:$0x0];
	_ =	sdelay $0x2  }
0xb8: {  	s31 =	sshll.u32 s1, $0xD;
	s1 =	sshrl.u32 s1, $0x2  }
0xb9: {  	s3 =	sand.u32 $0x4000, s31;
	s1 =	sadd.s32 s1, s30  }
0xba: {  	s0 =	sor.u32 s3, s0;
	s1 =	sshll.u32 s1, $0x11  }
0xbb: {  	s0 =	sor.u32 s1, s0  }
0xbc: {  	s0 =	sadd.s32 $0x8F2B, s0  }
0xbd: {  	[sflag:s0] =	ssyncadd.remote.s32 $0x1  }
0xbe: {  	_ =	sfence.sel $0xFFFF  }
0xbf: {  	[dreg:$0x0] =	wrdreg $0xFFFFFFFF;
	(pc) =	sbr.abs _section_cstart, $3  }
0xc0: {  	[dreg:$0x1] =	wrdreg $0xFFFFFFFF  }
0xc1: {  	_ =	task.clear_ibuf [dreg:s7], $0x2FFFF;
	_ =	strace $0x9FFFFFFF  }
0xc2: {  	(tm) =	ssettm $0x7FFFFFFF  }
0xc3: {  	_ =	shalt  }
tec
execute0_lowered:
.L_overlay_start_1:
0x0: {  	(tag) =	ssettag $0x1  }
0x1: {  	s4 =	rddreg [dreg:$0x0]  }
0x2: {  	s5 =	rddreg [dreg:$0x1]  }
0x3: {  	s0 =	rddreg [dreg:$0x2];
	s2 =	simm.s32 $0x0;
	s3 =	srdreg.scid  }
0x4: {  	s1 =	stileid.u32;
	s10 =	simm.s32 $0x200;
	s11 =	simm.s32 $0x400  }
0x5: {  	s12 =	simm.s32 $0x300;
	s13 =	simm.s32 $0x8400;
	s14 =	simm.s32 $0x1  }
0x6: {  	s15 =	simm.s32 $0x2;
	s16 =	simm.s32 $0x0;
	s6 =	sand.u32 $0x1, s3  }
0x7: {  	[smem:$0x7FF] =	sst s2;
	s7 =	sshll.u32 s1, $0xA;
	s8 =	sshll.u32 s6, $0x9  }
0x8: {  	s3 =	sadd.s32 $0xA00, s5;
	s6 =	ssub.s32 $0x2, s6;
	s7 =	sor.u32 s8, s7  }
0x9: {  	_ =	strace $0x80000047;
	s9 =	sshrl.u32 s6, $0x1;
	s8 =	sshll.u32 s7, $0x4  }
0xa: {  	s7 =	sshrl.u32 s7, $0x3;
	s9 =	ssub.s32 s6, s9;
	s8 =	sadd.s32 s8, s5  }
0xb: {  	s4 =	sadd.s32 s4, s7;
	s7 =	smax.u32 s9, $0x1;
	s9 =	simm.s32 $0x100  }
0xc: {  	s5 =	sadd.s32 $0x3E0A00, s8;
	s6 =	sadd.s32 $0x3E1A00, s8;
	s8 =	simm.s32 $0x3  }
.LBB2_1:
0xd: {  	[tilespmem:s2], [sflag:$0x3] =	stream.linear.gather [hbm4b:s4+s2], $0x200, $0x38;
	[tilespmem:$0x10400] =	vst v63  }
0xe: {  	_ =	swait.ge [sflag:s8], $0x200  }
0xf: {  	[sflag:s8] =	ssyncset.done $0x0  }
0x10: {  	s17 =	simm.s32 $0x0;
	[sflag:s8] =	ssyncadd.s32 $0xFFFFFE00  }
0x11: {  	s18 =	simm.s32 $0x40;
	v0 =	vld [tilespmem:s17+$0x0]  }
.LBB2_2:
0x12: {  	_ =	sdelay $0x1  }
0x13: {  	p0 =	sne.s32 s18, $0x7C0  }
.Ltmp0:
0x14: {  	_ = 	snop;
	(pc) =	sbr.rel @p0 .LBB2_2-.Ltmp0, $4  }
0x15: {  	v1 =	vshrl.u32 v0, $0x2  }
0x16: {  	v2 =	vand.u32 $0x1FFF, v0;
	v1 =	vand.u32 $0x3FFFE000, v1  }
0x17: {  	s19 =	sshra.s32 s18, $0x2;
	v1 =	vor.u32 v2, v1  }
0x18: {  	s18 =	sadd.s32 $0x40, s18;
	v0 =	vld [tilespmem:s19+$0x0];
	[tilespmem:s17+$0x200] =	vst v1;
	s17 =	smov.u32 s19  }
0x19: {  	_ =	sdelay $0x3  }
0x1a: {  	v1 =	vshrl.u32 v0, $0x2  }
0x1b: {  	v63 =	vand.u32 $0x1FFF, v0;
	v1 =	vand.u32 $0x3FFFE000, v1  }
0x1c: {  	v0 =	vor.u32 v63, v1  }
0x1d: {  	[tilespmem:s17+$0x200] =	vst v0  }
0x1e: {  	[tilespmem:s11], [sflag:$0x1] =	stream.indirect.gather [hbm4b:s3+s9], $0x80, s10, s9, $0xb8;
	[tilespmem:$0x10400] =	vst v63  }
0x1f: {  	_ = 	snop  }
0x20: {  	[tilespmem:s13], [sflag:$0x2] =	stream.indirect.gather [hbm4b:s3+s9], $0x80, s12, s9, $0xb8;
	[tilespmem:$0x10400] =	vst v63  }
0x21: {  	_ =	swait.ge [sflag:s14], $0x8000  }
0x22: {  	[sflag:s14] =	ssyncset.done $0x0  }
0x23: {  	[sflag:s14] =	ssyncadd.s32 $0xFFFF8000  }
0x24: {  	[hbm4b:s5+s2] =	stream.linear.scatter [tilespmem:s11], [sflag:$0x3], $0x8000, $0x38;
	[tilespmem:$0x10400] =	vst v63  }
0x25: {  	_ =	swait.ge [sflag:s8], $0x8000  }
0x26: {  	[sflag:s8] =	ssyncset.done $0x0  }
0x27: {  	[sflag:s8] =	ssyncadd.s32 $0xFFFF8000  }
0x28: {  	s16 =	sadd.s32 $0x1, s16;
	_ =	swait.ge [sflag:s15], $0x8000  }
0x29: {  	p0 =	sne.s32 s16, s7;
	[sflag:s15] =	ssyncset.done $0x0  }
.Ltmp1:
0x2a: {  	[sflag:s15] =	ssyncadd.s32 $0xFFFF8000;
	(pc) =	sbr.rel @p0 .LBB2_1-.Ltmp1, $4  }
0x2b: {  	[hbm4b:s6+s2] =	stream.linear.scatter [tilespmem:s13], [sflag:$0x3], $0x8000, $0x38;
	[tilespmem:$0x10400] =	vst v63  }
0x2c: {  	_ =	swait.ge [sflag:s8], $0x8000  }
0x2d: {  	[sflag:s8] =	ssyncset.done $0x0  }
0x2e: {  	[sflag:s8] =	ssyncadd.s32 $0xFFFF8000  }
0x2f: {  	_ =	sfence.sel $0x180000  }
0x30: {  	[bflag:$0x0] =	sbarrier.arrive $0xFFFF  }
0x31: {  	p0 =	sne.s32 s1, $0x0;
	_ =	strace $0x90000047  }
0x32: {  	s0 =	sadd.s32 @!p0 $0x100000, s0;
	[bflag:$0x2] =	sbarrier.arrive $0xFFFF  }
0x33: {  	[sflag:s0] =	ssyncadd.tile.s32 @!p0 $0x1;
	_ =	shalt  }
.Lfunc_end2:
_tile_overlayer_lowered:
.L_overlay_start_2:
0x34: {  	(tag) =	ssettag $0x2  }
0x35: {  	s0 =	rddreg [dreg:$0x0];
	s2 =	stileid.u32  }
0x36: {  	s1 =	rddreg [dreg:$0x1];
	p0 =	sne.s32 s2, $0x0  }
0x37: {  	s3 =	rddreg [dreg:$0x2];
	[bflag:$0x3] =	sbarrier.arrive $0xFFFF;
	s2 =	simm.s32 @!p0 $0x1C03  }
0x38: {  	[timem:s3], [sflag:s2] =	dma.local @!p0 [hbm:s0], s1  }
0x39: {  	s0 =	simm.s32 @!p0 $0x3  }
0x3a: {  	_ =	swait.ge @!p0 [sflag:s0], s1  }
0x3b: {  	s1 =	ssub.s32 @!p0 $0x0, s1;
	[sflag:s0] =	ssyncset.done @!p0 $0x0  }
0x3c: {  	[sflag:s0] =	ssyncadd.s32 @!p0 s1  }
0x3d: {  	[bflag:$0x3] =	sbarrier.arrive $0xFFFF  }
0x3e: {  	_ =	shalt  }

// kernel: kernel.7.cloned.1.call-start
scs
__scs_entry_jumppad:
0x0: {  	(pc) =	sbr.rel $0x88, $3  }
0x1: {  	(tag) =	ssettag $0x0;
	lr =	simm.s32 $0x1  }
0x2: {  	[smem:$0x3F9D] =	sst lr;
	_ =	strace $0xD0000000  }
0x3: {  	_ = 	snop  }
0x4: {  	_ = 	snop  }
0x5: {  	_ = 	snop  }
0x6: {  	_ = 	snop  }
0x7: {  	_ = 	snop  }
__scs_overlays_trampoline_lowered:
0x8: {  	[smem:$0x3FAC] =	sst s0  }
0x9: {  	[smem:$0x3FAD] =	sst s1  }
0xa: {  	[smem:$0x3FAE] =	sst s2  }
0xb: {  	[smem:$0x3FAF] =	sst s3  }
0xc: {  	[smem:$0x3FB0] =	sst s4  }
0xd: {  	[smem:$0x3FB1] =	sst s5  }
0xe: {  	[smem:$0x3FB2] =	sst s6  }
0xf: {  	[smem:$0x3FB3] =	sst s7  }
0x10: {  	[smem:$0x3FB4] =	sst s8  }
0x11: {  	[smem:$0x3FB5] =	sst s9;
	s0 =	simm.s32 @!p0 $0x0  }
0x12: {  	s1 =	sld [smem:$0x3F9B];
	s0 =	simm.s32 @p0 $0x1  }
0x13: {  	[smem:$0x3FB6] =	sst s0;
	s0 =	simm.s32 @!p1 $0x0  }
0x14: {  	s2 =	sld [smem:$0x3F9A];
	s0 =	simm.s32 @p1 $0x1  }
0x15: {  	[smem:$0x3FB7] =	sst s0;
	s0 =	simm.s32 @!p2 $0x0  }
0x16: {  	s3 =	sld [smem:$0x3FDB];
	s0 =	simm.s32 @p2 $0x1  }
0x17: {  	s4 =	simm.s32 $0x1BF5;
	[smem:$0x3FB9] =	sst s0  }
0x18: {  	s0 =	sld [smem:$0x3F9C];
	_ =	swait.ge [sflag:s4], $0x0  }
0x19: {  	s7 =	sld [smem:$0x3F9D]  }
0x1a: {  	s8 =	sadd.s32 $0xFFFFE003, lr  }
0x1b: {  	s9 =	sadd.s32 $0xFFFFFEF7, lr;
	s5 =	simm.s32 $0xFFFFFFFF;
	p2 =	slt.u32 s8, $0xFFFFF086  }
0x1c: {  	p1 =	slt.u32 s9, $0xF7A;
	s5 =	simm.s32 @!p2 $0x0  }
0x1d: {  	s5 =	simm.s32 @p1 $0x1;
	p0 =	seq.s32 s7, s2  }
0x1e: {  	s7 =	smul.u32 @!p0 $0xF7A, s2;
	p2 =	seq.s32 @!p0 s5, $0x0  }
0x1f: {  	s9 =	smul.u32 $0xF7A, s1;
	s8 =	simm.s32 @!p0 $0x1BF5;
	p2 =	por !p2, p0  }
0x20: {  	[sflag:s8] =	ssyncset.s32 @!p0 $0xFFFFF086;
	s6 =	sadd.s32 @!p0 s3, s7;
	s7 =	simm.s32 @!p0 $0x108  }
0x21: {  	s3 =	sadd.s32 s3, s9;
	s6 =	sadd.s32 @!p0 $0x88, s6;
	s7 =	simm.s32 @p2 $0x1082  }
0x22: {  	[simem:s7], [sflag:s8] =	dma.local @!p0 [hbm:s6], $0xF7A  }
0x23: {  	s9 =	sor.u32 $0xD0000000, s2;
	s6 =	simm.s32 $0x108;
	_ =	swait.ge @!p0 [sflag:s8], $0x0  }
0x24: {  	s3 =	sadd.s32 $0x88, s3;
	s6 =	simm.s32 @!p1 $0x1082;
	[sflag:s4] =	ssyncset.s32 $0xFFFFF086  }
0x25: {  	[simem:s6], [sflag:s4] =	dma.local [hbm:s3], $0xF7A  }
0x26: {  	[smem:$0x3F9D] =	sst s1;
	(tag) =	ssettag s2;
	_ =	strace s9  }
0x27: {  	s1 =	sld [smem:$0x3FAD]  }
0x28: {  	s2 =	sld [smem:$0x3FAE]  }
0x29: {  	s4 =	sld [smem:$0x3FB0]  }
0x2a: {  	p0 =	seq.s32 s5, $0x0;
	s5 =	sld [smem:$0x3FB1]  }
0x2b: {  	s6 =	sld [smem:$0x3FB2]  }
0x2c: {  	s7 =	sld [smem:$0x3FB3]  }
0x2d: {  	s3 =	simm.s32 $0x108;
	s8 =	sld [smem:$0x3FB4]  }
0x2e: {  	s3 =	simm.s32 @!p0 $0x1082;
	s9 =	sld [smem:$0x3FB5]  }
0x2f: {  	lr =	sadd.s32 s0, s3;
	s0 =	sld [smem:$0x3FAC]  }
0x30: {  	s3 =	sld [smem:$0x3FAF]  }
0x31: {  	[smem:$0x3FB8] =	sst s10  }
0x32: {  	s10 =	sld [smem:$0x3FB6];
	_ =	sdelay $0x3  }
0x33: {  	p0 =	seq.s32 s10, $0x1;
	s10 =	sld [smem:$0x3FB8];
	_ =	sdelay $0x3  }
0x34: {  	[smem:$0x3FB8] =	sst s10  }
0x35: {  	s10 =	sld [smem:$0x3FB7];
	_ =	sdelay $0x3  }
0x36: {  	p1 =	seq.s32 s10, $0x1;
	s10 =	sld [smem:$0x3FB8];
	_ =	sdelay $0x3  }
0x37: {  	[smem:$0x3FB8] =	sst s10  }
0x38: {  	s10 =	sld [smem:$0x3FB9]  }
0x39: {  	_ = 	snop;
	(pc) =	sbr.ind lr, $3  }
0x3a: {  	_ = 	snop  }
0x3b: {  	_ = 	snop  }
0x3c: {  	p2 =	seq.s32 s10, $0x1;
	s10 =	sld [smem:$0x3FB8]  }
0x3d: {  	_ =	shalt  }
0x3e: {  	_ =	shalt  }
0x3f: {  	_ =	shalt  }
0x40: {  	_ =	shalt  }
0x41: {  	_ =	shalt  }
0x42: {  	_ =	shalt  }
0x43: {  	_ =	shalt  }
0x44: {  	_ =	shalt  }
0x45: {  	_ =	shalt  }
0x46: {  	_ =	shalt  }
0x47: {  	_ =	shalt  }
0x48: {  	_ =	shalt  }
0x49: {  	_ =	shalt  }
0x4a: {  	_ =	shalt  }
0x4b: {  	_ =	shalt  }
0x4c: {  	_ =	shalt  }
0x4d: {  	_ =	shalt  }
0x4e: {  	_ =	shalt  }
0x4f: {  	_ =	shalt  }
0x50: {  	_ =	shalt  }
0x51: {  	_ =	shalt  }
0x52: {  	_ =	shalt  }
0x53: {  	_ =	shalt  }
0x54: {  	_ =	shalt  }
0x55: {  	_ =	shalt  }
0x56: {  	_ =	shalt  }
0x57: {  	_ =	shalt  }
0x58: {  	_ =	shalt  }
0x59: {  	_ =	shalt  }
0x5a: {  	_ =	shalt  }
0x5b: {  	_ =	shalt  }
0x5c: {  	_ =	shalt  }
0x5d: {  	_ =	shalt  }
0x5e: {  	_ =	shalt  }
0x5f: {  	_ =	shalt  }
0x60: {  	_ =	shalt  }
0x61: {  	_ =	shalt  }
0x62: {  	_ =	shalt  }
0x63: {  	_ =	shalt  }
0x64: {  	_ =	shalt  }
0x65: {  	_ =	shalt  }
0x66: {  	_ =	shalt  }
0x67: {  	_ =	shalt  }
0x68: {  	_ =	shalt  }
0x69: {  	_ =	shalt  }
0x6a: {  	_ =	shalt  }
0x6b: {  	_ =	shalt  }
0x6c: {  	_ =	shalt  }
0x6d: {  	_ =	shalt  }
0x6e: {  	_ =	shalt  }
0x6f: {  	_ =	shalt  }
0x70: {  	_ =	shalt  }
0x71: {  	_ =	shalt  }
0x72: {  	_ =	shalt  }
0x73: {  	_ =	shalt  }
0x74: {  	_ =	shalt  }
0x75: {  	_ =	shalt  }
0x76: {  	_ =	shalt  }
0x77: {  	_ =	shalt  }
0x78: {  	_ =	shalt  }
0x79: {  	_ =	shalt  }
0x7a: {  	_ =	shalt  }
0x7b: {  	_ =	shalt  }
0x7c: {  	_ =	shalt  }
0x7d: {  	_ =	shalt  }
0x7e: {  	_ =	shalt  }
0x7f: {  	_ =	shalt  }
0x80: {  	_ =	shalt  }
0x81: {  	_ =	shalt  }
0x82: {  	_ =	shalt  }
0x83: {  	_ =	shalt  }
0x84: {  	_ =	shalt  }
0x85: {  	_ =	shalt  }
0x86: {  	_ =	shalt  }
0x87: {  	_ =	shalt  }
.Lfunc_end0:
.L_simem_size_0:
called_computation_lowered:
.L_overlay_start_0:
0x88: {  	s2 =	sld [smem:$0x3FD9]  }
0x89: {  	s3 =	sld [smem:$0x3FFE];
	_ =	sdelay $0x1  }
0x8a: {  	s1 =	srdreg.scid  }
0x8b: {  	s0 =	sand.u32 $0x1, s1  }
0x8c: {  	s17 =	sshll.u32 s0, $0xA;
	s2 =	sadd.s32 s3, s2  }
0x8d: {  	s2 =	sadd.s32 s2, s17  }
0x8e: {  	[smem:$0x3FC4] =	sst s2  }
0x8f: {  	_ = 	snop  }
0x90: {  	s18 =	sld [smem:$0x3FC9];
	(tm) =	ssettm $0x1  }
0x91: {  	s19 =	sld [smem:$0x3FFB];
	_ =	sdelay $0x3  }
0x92: {  	_ =	strace s19  }
0x93: {  	s2 =	sld [smem:$0x3FFC];
	_ =	sdelay $0x3  }
0x94: {  	_ =	strace s2  }
0x95: {  	s2 =	sld [smem:$0x3FFD];
	_ =	sdelay $0x3  }
0x96: {  	_ =	strace s2  }
0x97: {  	_ =	strace $0x8FFFFFFF  }
0x98: {  	s20 =	sld [smem:$0x3FDB];
	_ =	sdelay $0x1  }
0x99: {  	s4 =	simm.s32 $_scs_section_size  }
0x9a: {  	s5 =	simm.s32 $_size__tile_overlayer_lowered;
	s6 =	simm.s32 $_tile_overlayer_lowered  }
0x9b: {  	s7 =	simm.s32 $0x1BFF;
	s21 =	sshll.u32 s6, $0x1;
	s4 =	sadd.s32 s4, s20  }
0x9c: {  	s22 =	simm.s32 $0x0;
	s5 =	sshll.u32 s5, $0x1;
	s6 =	sadd.s32 s21, s4  }
0x9d: {  	[timem:s22], [sflag:s7] =	dma.local [hbm:s6], s5  }
0x9e: {  	_ =	swait.ge [sflag:s7], s5  }
0x9f: {  	s5 =	ssub.s32 $0x0, s5;
	[sflag:s7] =	ssyncset.done $0x0  }
0xa0: {  	[sflag:s7] =	ssyncadd.s32 s5;
	_ =	sdelay $0x1  }
0xa1: {  	s23 =	simm.s32 $0x1B8B  }
0xa2: {  	_ =	swait.ge [sflag:s23], $0x1  }
0xa3: {  	[sflag:s23] =	ssyncset.done $0x0  }
0xa4: {  	[sflag:s23] =	ssyncadd.s32 $0xFFFFFFFF  }
0xa5: {  	s5 =	sld [smem:$0x0]  }
0xa6: {  	s6 =	sand.u32 $0xFFFFFFFE, s1  }
0xa7: {  	p0 =	sne.s32 s1, s6  }
0xa8: {  	s6 =	sshll.u32 @p0 s6, $0xE  }
0xa9: {  	s6 =	sadd.s32 @p0 $0x11B8D, s6;
	s7 =	sshll.u32 @p0 s5, $0x11  }
0xaa: {  	s6 =	sor.u32 @p0 s7, s6  }
0xab: {  	[sflag:s6] =	ssyncadd.remote.s32 @p0 $0x1;
	_ =	sdelay $0x1  }
0xac: {  	s6 =	simm.s32 @p0 $0x1B8D  }
0xad: {  	_ =	swait.eq @p0 [sflag:s6], $0x1  }
0xae: {  	[sflag:s6] =	ssyncadd.s32 @p0 $0xFFFFFFFF  }
0xaf: {  	s7 =	sshll.u32 @!p0 s1, $0xE  }
0xb0: {  	s7 =	sor.u32 @!p0 $0x4000, s7;
	s6 =	simm.s32 @!p0 $0x1B8D  }
0xb1: {  	s5 =	sshll.u32 @!p0 s5, $0x11;
	s7 =	sadd.s32 @!p0 $0x11B8D, s7;
	_ =	swait.eq @!p0 [sflag:s6], $0x1  }
0xb2: {  	s5 =	sor.u32 @!p0 s5, s7;
	[sflag:s6] =	ssyncadd.s32 @!p0 $0xFFFFFFFF  }
0xb3: {  	s25 =	simm.s32 $0x1B8E;
	s24 =	sld [smem:$0x3FFE];
	[sflag:s5] =	ssyncadd.remote.s32 @!p0 $0x1  }
0xb4: {  	s26 =	simm.s32 $execute0_lowered;
	[smem:$0x3FD2] =	sst s25  }
0xb5: {  	s6 =	sshll.u32 s26, $0x1;
	_ =	strace $0x80000049;
	[dreg:$0x1] =	wrdreg $0xFFFFFFFF  }
0xb6: {  	s28 =	simm.s32 $_size_execute0_lowered;
	s4 =	sadd.s32 s4, s6;
	[dreg:$0x0] =	wrdreg $0x0  }
0xb7: {  	s6 =	sshll.u32 s28, $0x1;
	[dreg:$0x2] =	wrdreg s4  }
0xb8: {  	[dreg:$0x3] =	wrdreg s6  }
0xb9: {  	[dreg:$0x4] =	wrdreg $0xC0  }
0xba: {  	_ =	task [dreg:s22], $0x5FFFF  }
0xbb: {  	[dreg:$0x1] =	wrdreg $0xFFFFFFFF  }
0xbc: {  	[dreg:$0x0] =	wrdreg $0x60  }
0xbd: {  	[dreg:$0x2] =	wrdreg s18  }
0xbe: {  	[dreg:$0x3] =	wrdreg s24  }
0xbf: {  	[dreg:$0x4] =	wrdreg $0x9  }
0xc0: {  	_ =	task.clear_ibuf [dreg:s22], $0x5FFFF;
	_ =	strace $0x90000049  }
0xc1: {  	s29 =	simm.s32 $0x9;
	_ =	strace $0x8000004B  }
0xc2: {  	_ =	swait.ge [sflag:s29], $0x1  }
0xc3: {  	[sflag:s29] =	ssyncadd.s32 $0xFFFFFFFF  }
0xc4: {  	_ =	strace $0x9000004B  }
0xc5: {  	_ =	sfence  }
0xc6: {  	s30 =	sld [smem:$0x0];
	_ =	sdelay $0x2  }
0xc7: {  	s31 =	sshll.u32 s1, $0xD;
	s1 =	sshrl.u32 s1, $0x2  }
0xc8: {  	s4 =	sand.u32 $0x4000, s31;
	s1 =	sadd.s32 s1, s30  }
0xc9: {  	s0 =	sor.u32 s4, s0;
	s1 =	sshll.u32 s1, $0x11  }
0xca: {  	s0 =	sor.u32 s1, s0  }
0xcb: {  	s0 =	sadd.s32 $0x8F2B, s0  }
0xcc: {  	[sflag:s0] =	ssyncadd.remote.s32 $0x1  }
0xcd: {  	_ =	sfence.sel $0xFFFF  }
0xce: {  	[dreg:$0x0] =	wrdreg $0xFFFFFFFF;
	(pc) =	sbr.abs _section_cstart, $3  }
0xcf: {  	[dreg:$0x1] =	wrdreg $0xFFFFFFFF  }
0xd0: {  	_ =	task.clear_ibuf [dreg:s22], $0x2FFFF;
	_ =	strace $0x9FFFFFFF  }
0xd1: {  	(tm) =	ssettm $0x7FFFFFFF  }
tec
execute0_lowered:
.L_overlay_start_1:
0x0: {  	(tag) =	ssettag $0x1  }
0x1: {  	s4 =	rddreg [dreg:$0x0]  }
0x2: {  	s5 =	rddreg [dreg:$0x1]  }
0x3: {  	s0 =	rddreg [dreg:$0x2];
	s2 =	simm.s32 $0x0;
	s3 =	srdreg.scid  }
0x4: {  	s1 =	stileid.u32;
	s10 =	simm.s32 $0x200;
	s11 =	simm.s32 $0x400  }
0x5: {  	s12 =	simm.s32 $0x300;
	s13 =	simm.s32 $0x8400;
	s14 =	simm.s32 $0x1  }
0x6: {  	s15 =	simm.s32 $0x2;
	s16 =	simm.s32 $0x0;
	s6 =	sand.u32 $0x1, s3  }
0x7: {  	[smem:$0x7FF] =	sst s2;
	s7 =	sshll.u32 s1, $0xA;
	s8 =	sshll.u32 s6, $0x9  }
0x8: {  	s3 =	sadd.s32 $0x420A00, s5;
	s6 =	ssub.s32 $0x2, s6;
	s7 =	sor.u32 s8, s7  }
0x9: {  	_ =	strace $0x8000004A;
	s9 =	sshrl.u32 s6, $0x1;
	s8 =	sshll.u32 s7, $0x4  }
0xa: {  	s7 =	sshrl.u32 s7, $0x3;
	s9 =	ssub.s32 s6, s9;
	s8 =	sadd.s32 s8, s5  }
0xb: {  	s4 =	sadd.s32 s4, s7;
	s7 =	smax.u32 s9, $0x1;
	s9 =	simm.s32 $0x100  }
0xc: {  	s5 =	sadd.s32 $0x800A00, s8;
	s6 =	sadd.s32 $0x801A00, s8;
	s8 =	simm.s32 $0x3  }
.LBB2_1:
0xd: {  	[tilespmem:s2], [sflag:$0x3] =	stream.linear.gather [hbm4b:s4+s2], $0x200, $0x38;
	[tilespmem:$0x10400] =	vst v63  }
0xe: {  	_ =	swait.ge [sflag:s8], $0x200  }
0xf: {  	[sflag:s8] =	ssyncset.done $0x0  }
0x10: {  	s17 =	simm.s32 $0x0;
	[sflag:s8] =	ssyncadd.s32 $0xFFFFFE00  }
0x11: {  	s18 =	simm.s32 $0x40;
	v0 =	vld [tilespmem:s17+$0x0]  }
.LBB2_2:
0x12: {  	_ =	sdelay $0x1  }
0x13: {  	p0 =	sne.s32 s18, $0x7C0  }
.Ltmp0:
0x14: {  	_ = 	snop;
	(pc) =	sbr.rel @p0 .LBB2_2-.Ltmp0, $4  }
0x15: {  	v1 =	vshrl.u32 v0, $0x2  }
0x16: {  	v2 =	vand.u32 $0x1FFF, v0;
	v1 =	vand.u32 $0x3FFFE000, v1  }
0x17: {  	s19 =	sshra.s32 s18, $0x2;
	v1 =	vor.u32 v2, v1  }
0x18: {  	s18 =	sadd.s32 $0x40, s18;
	v0 =	vld [tilespmem:s19+$0x0];
	[tilespmem:s17+$0x200] =	vst v1;
	s17 =	smov.u32 s19  }
0x19: {  	_ =	sdelay $0x3  }
0x1a: {  	v1 =	vshrl.u32 v0, $0x2  }
0x1b: {  	v63 =	vand.u32 $0x1FFF, v0;
	v1 =	vand.u32 $0x3FFFE000, v1  }
0x1c: {  	v0 =	vor.u32 v63, v1  }
0x1d: {  	[tilespmem:s17+$0x200] =	vst v0  }
0x1e: {  	[tilespmem:s11], [sflag:$0x1] =	stream.indirect.gather [hbm4b:s3+s9], $0x80, s10, s9, $0xb8;
	[tilespmem:$0x10400] =	vst v63  }
0x1f: {  	_ = 	snop  }
0x20: {  	[tilespmem:s13], [sflag:$0x2] =	stream.indirect.gather [hbm4b:s3+s9], $0x80, s12, s9, $0xb8;
	[tilespmem:$0x10400] =	vst v63  }
0x21: {  	_ =	swait.ge [sflag:s14], $0x8000  }
0x22: {  	[sflag:s14] =	ssyncset.done $0x0  }
0x23: {  	[sflag:s14] =	ssyncadd.s32 $0xFFFF8000  }
0x24: {  	[hbm4b:s5+s2] =	stream.linear.scatter [tilespmem:s11], [sflag:$0x3], $0x8000, $0x38;
	[tilespmem:$0x10400] =	vst v63  }
0x25: {  	_ =	swait.ge [sflag:s8], $0x8000  }
0x26: {  	[sflag:s8] =	ssyncset.done $0x0  }
0x27: {  	[sflag:s8] =	ssyncadd.s32 $0xFFFF8000  }
0x28: {  	s16 =	sadd.s32 $0x1, s16;
	_ =	swait.ge [sflag:s15], $0x8000  }
0x29: {  	p0 =	sne.s32 s16, s7;
	[sflag:s15] =	ssyncset.done $0x0  }
.Ltmp1:
0x2a: {  	[sflag:s15] =	ssyncadd.s32 $0xFFFF8000;
	(pc) =	sbr.rel @p0 .LBB2_1-.Ltmp1, $4  }
0x2b: {  	[hbm4b:s6+s2] =	stream.linear.scatter [tilespmem:s13], [sflag:$0x3], $0x8000, $0x38;
	[tilespmem:$0x10400] =	vst v63  }
0x2c: {  	_ =	swait.ge [sflag:s8], $0x8000  }
0x2d: {  	[sflag:s8] =	ssyncset.done $0x0  }
0x2e: {  	[sflag:s8] =	ssyncadd.s32 $0xFFFF8000  }
0x2f: {  	_ =	sfence.sel $0x180000  }
0x30: {  	[bflag:$0x0] =	sbarrier.arrive $0xFFFF  }
0x31: {  	p0 =	sne.s32 s1, $0x0;
	_ =	strace $0x9000004A  }
0x32: {  	s0 =	sadd.s32 @!p0 $0x100000, s0;
	[bflag:$0x2] =	sbarrier.arrive $0xFFFF  }
0x33: {  	[sflag:s0] =	ssyncadd.tile.s32 @!p0 $0x1;
	_ =	shalt  }
.Lfunc_end2:
_tile_overlayer_lowered:
.L_overlay_start_2:
0x34: {  	(tag) =	ssettag $0x2  }
0x35: {  	s0 =	rddreg [dreg:$0x0];
	s2 =	stileid.u32  }
0x36: {  	s1 =	rddreg [dreg:$0x1];
	p0 =	sne.s32 s2, $0x0  }
0x37: {  	s3 =	rddreg [dreg:$0x2];
	[bflag:$0x3] =	sbarrier.arrive $0xFFFF;
	s2 =	simm.s32 @!p0 $0x1C03  }
0x38: {  	[timem:s3], [sflag:s2] =	dma.local @!p0 [hbm:s0], s1  }
0x39: {  	s0 =	simm.s32 @!p0 $0x3  }
0x3a: {  	_ =	swait.ge @!p0 [sflag:s0], s1  }
0x3b: {  	s1 =	ssub.s32 @!p0 $0x0, s1;
	[sflag:s0] =	ssyncset.done @!p0 $0x0  }
0x3c: {  	[sflag:s0] =	ssyncadd.s32 @!p0 s1  }
0x3d: {  	[bflag:$0x3] =	sbarrier.arrive $0xFFFF  }
0x3e: {  	_ =	shalt  }

</sc_bundles>
